<compile_context>
chip_gen: v7x
topology: tpu7x:2x2x1
jax: 0.10.2.dev20260603
libtpu: 0.0.44.dev20260713+nightly
codegen_flags: <defaults>
</compile_context>

<pallas_src>
import functools

import jax
import jax.numpy as jnp
from jax import lax
from jax.experimental import pallas as pl
from jax.experimental.pallas import tpu as pltpu
from jax.experimental.pallas import tpu_sc as plsc

B, N, K = 4, 1024, 16
RADII = (0.1, 0.3, 0.6)
EPS = 1e-3
L = 16
NW = 32
ROWS_PER_W = (B * N) // NW
CHUNK = 32
QB = 256
NBLK = 512


def _swish(x):
    return x * jax.nn.sigmoid(x)


def _bn(x, g, b, m, v):
    scale = g * lax.rsqrt(v + EPS)
    return x * scale + (b - m * scale)


def _tnet_body(inp_ref, tcw, tcb, g1, b1, m1, v1, d1w, d1b, g2, b2, m2, v2,
               d2w, d2b, pct_ref):
    x = inp_ref[0]
    h = jnp.dot(x, tcw[...]) + tcb[...]
    h = _swish(_bn(h, g1[...], b1[...], m1[...], v1[...]))
    hm = jnp.max(h, axis=0, keepdims=True)
    h2 = jnp.dot(hm, d1w[...]) + d1b[...]
    h2 = _swish(_bn(h2, g2[...], b2[...], m2[...], v2[...]))
    x9 = jnp.dot(h2, d2w[...]) + d2b[...]
    t = jnp.concatenate([x9[:, 0:3], x9[:, 3:6], x9[:, 6:9]], axis=0)
    pct_ref[0] = jnp.dot(x, t)


def _tnet(inputs, tcw, tcb, g1, b1, m1, v1, d1w, d1b, g2, b2, m2, v2, d2w, d2b):
    full = lambda *s: pl.BlockSpec(s, lambda i: (0,) * len(s))
    return pl.pallas_call(
        _tnet_body,
        grid=(B,),
        in_specs=[
            pl.BlockSpec((1, N, 3), lambda i: (i, 0, 0)),
            full(3, 128), full(128,), full(128,), full(128,), full(128,),
            full(128,), full(128, 128), full(128,), full(128,), full(128,),
            full(128,), full(128,), full(128, 9), full(9,),
        ],
        out_specs=pl.BlockSpec((1, N, 3), lambda i: (i, 0, 0)),
        out_shape=jax.ShapeDtypeStruct((B, N, 3), jnp.float32),
    )(inputs, tcw, tcb, g1, b1, m1, v1, d1w, d1b, g2, b2, m2, v2, d2w, d2b)


def _dist_body(pct_ref, pctt_ref, out_ref):
    q = pct_ref[0]
    p = pctt_ref[0]
    d0 = q[:, 0:1] - p[0:1, :]
    s = d0 * d0
    d1 = q[:, 1:2] - p[1:2, :]
    s = s + d1 * d1
    d2 = q[:, 2:3] - p[2:3, :]
    s = s + d2 * d2
    out_ref[0] = jnp.sqrt(jnp.maximum(s, 1e-12))


def _dists(pct, pct_t):
    return pl.pallas_call(
        _dist_body,
        grid=(B, N // QB),
        in_specs=[
            pl.BlockSpec((1, QB, 3), lambda b, q: (b, q, 0)),
            pl.BlockSpec((1, 3, N), lambda b, q: (b, 0, 0)),
        ],
        out_specs=pl.BlockSpec((1, QB, N), lambda b, q: (b, q, 0)),
        out_shape=jax.ShapeDtypeStruct((B, N, N), jnp.float32),
    )(pct, pct_t)


def _sc_select_body(dist_hbm, pct_hbm, feats_hbm, drows, pctv, fout,
                    ib0, ib1, ib2, ob0, ob1, ob2, hitbuf_a, hitbuf_b):
    wid = lax.axis_index("s") * 2 + lax.axis_index("c")
    tiles_per_b = N // ROWS_PER_W
    b = wid // tiles_per_b
    n0 = (wid % tiles_per_b) * ROWS_PER_W
    pltpu.sync_copy(pct_hbm.at[b], pctv)

    lanes = lax.broadcasted_iota(jnp.int32, (L,), 0)
    outbufs = (ob0, ob1, ob2)

    def zrow(i, _):
        fout[i] = jnp.zeros((L,), jnp.float32)
        return 0
    lax.fori_loop(0, CHUNK * K, zrow, 0)

    def row_tail(rj, h, hitbuf):
        nh = (h + L - 1) // L

        def cond2(st):
            return (st[0] < nh) & ((st[1] < K) | (st[2] < K))

        def body2(st):
            w, i0, i1 = st
            hidx = hitbuf[pl.ds(w * L, L)]
            valid = (w * L + lanes) < h
            hidx = jnp.where(valid, hidx, lanes * 0)
            rowsp = lanes * 0 + rj
            dv = plsc.load_gather(drows, [rowsp, hidx])
            m0 = (dv <= RADII[0]) & valid
            m1 = (dv <= RADII[1]) & valid
            pc0 = plsc.all_reduce_population_count(m0)[0]
            pc1 = plsc.all_reduce_population_count(m1)[0]

            @pl.when(i0 < K)
            def _():
                plsc.store_compressed(ib0.at[pl.ds(i0, L)], hidx, mask=m0)

            @pl.when(i1 < K)
            def _():
                plsc.store_compressed(ib1.at[pl.ds(i1, L)], hidx, mask=m1)
            return (w + 1, i0 + pc0, i1 + pc1)

        z = jnp.int32(0)
        _, i0, i1 = lax.while_loop(cond2, body2, (z, z, z))

        def condo(st):
            return ((st[0] < N // L) &
                    ((st[1] < K) | (st[2] < K) | (st[3] < K)))

        def bodyo(st):
            w, o0, o1, o2 = st
            d = drows[rj, pl.ds(w * L, L)]
            news = []
            ocurs = (o0, o1, o2)
            for ri in range(3):
                m = jnp.logical_not(d <= RADII[ri])
                pc = plsc.all_reduce_population_count(m)[0]
                ocur = ocurs[ri]

                @pl.when(ocur < K)
                def _():
                    plsc.store_compressed(
                        outbufs[ri].at[pl.ds(ocur, L)],
                        lanes + w * L, mask=m)
                news.append(ocur + pc)
            return (w + 1, news[0], news[1], news[2])

        _, o0, o1, o2 = lax.while_loop(condo, bodyo, (z, z, z, z))

        ins = (i0, i1, h)
        srcbufs = (ib0, ib1, hitbuf)
        for ri in range(3):
            c = jnp.minimum(ins[ri], K)
            use_in = lanes < c
            jin = plsc.load_gather(srcbufs[ri], [lanes])
            jout = plsc.load_gather(outbufs[ri],
                                    [jnp.maximum(lanes - c, 0)])
            j = jnp.where(use_in, jin, jout)
            for c3 in range(3):
                vals = plsc.load_gather(pctv, [j * 3 + c3])
                col = jnp.full((L,), ri * 3 + c3, jnp.int32)
                plsc.store_scatter(fout, [rj * K + lanes, col], vals)

    def chunk_step(ci, _):
        row_base = n0 + ci * CHUNK
        pltpu.sync_copy(dist_hbm.at[b, pl.ds(row_base, CHUNK)], drows)

        def pair_step(rp, _2):
            ra = rp * 2
            rb = ra + 1

            def p1(vb, carry):
                ha, hb = carry
                for u in range(2):
                    v = vb * 2 + u
                    da = drows[ra, pl.ds(v * L, L)]
                    db = drows[rb, pl.ds(v * L, L)]
                    ma = da <= RADII[2]
                    mb = db <= RADII[2]
                    plsc.store_compressed(hitbuf_a.at[pl.ds(ha, L)],
                                          lanes + v * L, mask=ma)
                    plsc.store_compressed(hitbuf_b.at[pl.ds(hb, L)],
                                          lanes + v * L, mask=mb)
                    ha = ha + plsc.all_reduce_population_count(ma)[0]
                    hb = hb + plsc.all_reduce_population_count(mb)[0]
                return (ha, hb)

            z = jnp.int32(0)
            ha, hb = lax.fori_loop(0, N // (L * 2), p1, (z, z))
            row_tail(ra, ha, hitbuf_a)
            row_tail(rb, hb, hitbuf_b)
            return 0

        lax.fori_loop(0, CHUNK // 2, pair_step, 0)
        pltpu.sync_copy(fout,
                        feats_hbm.at[b, pl.ds(row_base * K, CHUNK * K)])
        return 0

    lax.fori_loop(0, ROWS_PER_W // CHUNK, chunk_step, 0)


def _sc_select(dist, pct_flat):
    mesh = plsc.VectorSubcoreMesh(core_axis_name="c", subcore_axis_name="s",
                                  num_cores=2, num_subcores=16)
    f = functools.partial(
        pl.kernel,
        out_type=jax.ShapeDtypeStruct((B, N * K, L), jnp.float32),
        mesh=mesh,
        compiler_params=pltpu.CompilerParams(needs_layout_passes=False),
        scratch_types=[
            pltpu.VMEM((CHUNK, N), jnp.float32),
            pltpu.VMEM((N * 3,), jnp.float32),
            pltpu.VMEM((CHUNK * K, L), jnp.float32),
            pltpu.VMEM((2 * L,), jnp.int32),
            pltpu.VMEM((2 * L,), jnp.int32),
            pltpu.VMEM((2 * L,), jnp.int32),
            pltpu.VMEM((2 * L,), jnp.int32),
            pltpu.VMEM((2 * L,), jnp.int32),
            pltpu.VMEM((2 * L,), jnp.int32),
            pltpu.VMEM((N + L,), jnp.int32),
            pltpu.VMEM((N + L,), jnp.int32),
        ],
    )(_sc_select_body)
    return f(dist, pct_flat)


def _conv_body(feats_ref, c1w, c1b, rw, rb, w0, b0, w1, b1, out_ref):
    x = feats_ref[0]
    f = _swish(jnp.dot(x, c1w[...]) + c1b[...])
    res = jnp.dot(f, rw[...]) + rb[...]
    f = f + res
    f = _swish(jnp.dot(f, w0[...]) + b0[...])
    f = _swish(jnp.dot(f, w1[...]) + b1[...])
    m = jnp.max(f.reshape(NBLK, K, 128), axis=0)
    nb = pl.program_id(1)

    @pl.when(nb == 0)
    def _():
        out_ref[0] = m

    @pl.when(nb != 0)
    def _():
        out_ref[0] = jnp.maximum(out_ref[0], m)


def _conv(feats, c1wp, c1b, rw, rb, w0, b0, w1, b1):
    full = lambda *s: pl.BlockSpec(s, lambda i, j: (0,) * len(s))
    return pl.pallas_call(
        _conv_body,
        grid=(B, N // NBLK),
        in_specs=[
            pl.BlockSpec((1, NBLK * K, L), lambda bb, nb: (bb, nb, 0)),
            full(L, 256), full(256,), full(256, 256), full(256,),
            full(256, 256), full(256,), full(256, 128), full(128,),
        ],
        out_specs=pl.BlockSpec((1, K, 128), lambda bb, nb: (bb, 0, 0)),
        out_shape=jax.ShapeDtypeStruct((B, K, 128), jnp.float32),
    )(feats, c1wp, c1b, rw, rb, w0, b0, w1, b1)


def kernel(inputs, t_conv_w, t_conv_b, t_bn1_g, t_bn1_b, t_bn1_m, t_bn1_v,
           t_d1_w, t_d1_b, t_bn2_g, t_bn2_b, t_bn2_m, t_bn2_v, t_d2_w, t_d2_b,
           c1_w, c1_b, bn1_g, bn1_b, bn1_m, bn1_v, res_w, res_b,
           blk0_w, blk0_b, blk0_bn_g, blk0_bn_b, blk0_bn_m, blk0_bn_v,
           blk1_w, blk1_b, blk1_bn_g, blk1_bn_b, blk1_bn_m, blk1_bn_v):
    pct = _tnet(inputs, t_conv_w, t_conv_b, t_bn1_g, t_bn1_b, t_bn1_m,
                t_bn1_v, t_d1_w, t_d1_b, t_bn2_g, t_bn2_b, t_bn2_m, t_bn2_v,
                t_d2_w, t_d2_b)
    pct_t = jnp.swapaxes(pct, 1, 2)
    dist = _dists(pct, pct_t)
    feats = _sc_select(dist, pct.reshape(B, N * 3))
    c1wp = jnp.concatenate(
        [c1_w, jnp.zeros((L - 9, c1_w.shape[1]), jnp.float32)], axis=0)
    s1 = bn1_g * jax.lax.rsqrt(bn1_v + EPS)
    t1 = bn1_b - bn1_m * s1
    s0 = blk0_bn_g * jax.lax.rsqrt(blk0_bn_v + EPS)
    t0 = blk0_bn_b - blk0_bn_m * s0
    s2 = blk1_bn_g * jax.lax.rsqrt(blk1_bn_v + EPS)
    t2 = blk1_bn_b - blk1_bn_m * s2
    out = _conv(feats, c1wp * s1[None, :], c1_b * s1 + t1, res_w, res_b,
                blk0_w * s0[None, :], blk0_b * s0 + t0,
                blk1_w * s2[None, :], blk1_b * s2 + t2)
    return out.reshape(B, K * 128)

# --- scband reference (transcript-rebuilt; emitter-appended) ---
"""Pipeline reference for scband-point-cloud-extractor-51866025066719 (READ-ONLY COPY).

The authoritative reference and input builder live on the scoring server;
editing this copy changes nothing except your own understanding.
"""

import jax, jax.numpy as jnp
import numpy as np

B, N, K = 4, 1024, 16
TNET_U = 128
PCE_U = 256
RADII = (0.1, 0.3, 0.6)
EPS = 1e-3  # keras BatchNormalization default epsilon


def _swish(x):
    return x * jax.nn.sigmoid(x)


def _bn(x, g, b, m, v):
    # inference-mode batch norm with moving statistics
    return g * (x - m) * jax.lax.rsqrt(v + EPS) + b


def setup_inputs(seed: int = 0):
    key = jax.random.key(seed)
    ks = jax.random.split(key, 10)
    inp = {}
    inp['inputs'] = jax.random.normal(ks[0], (B, N, 3), dtype=jnp.float32)
    # --- OrthogonalTNet params ---
    inp['t_conv_w'] = jax.random.normal(ks[1], (3, TNET_U), dtype=jnp.float32) * (1.0 / np.sqrt(3.0))
    inp['t_conv_b'] = jnp.zeros((TNET_U,), jnp.float32)
    inp['t_bn1_g'] = jnp.ones((TNET_U,), jnp.float32)
    inp['t_bn1_b'] = jnp.zeros((TNET_U,), jnp.float32)
    inp['t_bn1_m'] = jnp.zeros((TNET_U,), jnp.float32)
    inp['t_bn1_v'] = jnp.ones((TNET_U,), jnp.float32)
    inp['t_d1_w'] = jax.random.normal(ks[2], (TNET_U, TNET_U), dtype=jnp.float32) * (1.0 / np.sqrt(TNET_U))
    inp['t_d1_b'] = jnp.zeros((TNET_U,), jnp.float32)
    inp['t_bn2_g'] = jnp.ones((TNET_U,), jnp.float32)
    inp['t_bn2_b'] = jnp.zeros((TNET_U,), jnp.float32)
    inp['t_bn2_m'] = jnp.zeros((TNET_U,), jnp.float32)
    inp['t_bn2_v'] = jnp.ones((TNET_U,), jnp.float32)
    inp['t_d2_w'] = jax.random.normal(ks[3], (TNET_U, 9), dtype=jnp.float32) * 0.05
    inp['t_d2_b'] = jnp.zeros((9,), jnp.float32)
    # --- PointCloudExtractor params ---
    inp['c1_w'] = jax.random.normal(ks[4], (9, PCE_U), dtype=jnp.float32) * (1.0 / 3.0)
    inp['c1_b'] = jnp.zeros((PCE_U,), jnp.float32)
    inp['bn1_g'] = jnp.ones((PCE_U,), jnp.float32)
    inp['bn1_b'] = jnp.zeros((PCE_U,), jnp.float32)
    inp['bn1_m'] = jnp.zeros((PCE_U,), jnp.float32)
    inp['bn1_v'] = jnp.ones((PCE_U,), jnp.float32)
    inp['res_w'] = jax.random.normal(ks[5], (PCE_U, PCE_U), dtype=jnp.float32) * (1.0 / np.sqrt(PCE_U))
    inp['res_b'] = jnp.zeros((PCE_U,), jnp.float32)
    inp['blk0_w'] = jax.random.normal(ks[6], (PCE_U, PCE_U), dtype=jnp.float32) * (1.0 / np.sqrt(PCE_U))
    inp['blk0_b'] = jnp.zeros((PCE_U,), jnp.float32)
    inp['blk0_bn_g'] = jnp.ones((PCE_U,), jnp.float32)
    inp['blk0_bn_b'] = jnp.zeros((PCE_U,), jnp.float32)
    inp['blk0_bn_m'] = jnp.zeros((PCE_U,), jnp.float32)
    inp['blk0_bn_v'] = jnp.ones((PCE_U,), jnp.float32)
    inp['blk1_w'] = jax.random.normal(ks[7], (PCE_U, PCE_U // 2), dtype=jnp.float32) * (1.0 / np.sqrt(PCE_U))
    inp['blk1_b'] = jnp.zeros((PCE_U // 2,), jnp.float32)
    inp['blk1_bn_g'] = jnp.ones((PCE_U // 2,), jnp.float32)
    inp['blk1_bn_b'] = jnp.zeros((PCE_U // 2,), jnp.float32)
    inp['blk1_bn_m'] = jnp.zeros((PCE_U // 2,), jnp.float32)
    inp['blk1_bn_v'] = jnp.ones((PCE_U // 2,), jnp.float32)
    return inp


def _forward(inputs, t_conv_w, t_conv_b, t_bn1_g, t_bn1_b, t_bn1_m, t_bn1_v,
             t_d1_w, t_d1_b, t_bn2_g, t_bn2_b, t_bn2_m, t_bn2_v, t_d2_w, t_d2_b,
             c1_w, c1_b, bn1_g, bn1_b, bn1_m, bn1_v, res_w, res_b,
             blk0_w, blk0_b, blk0_bn_g, blk0_bn_b, blk0_bn_m, blk0_bn_v,
             blk1_w, blk1_b, blk1_bn_g, blk1_bn_b, blk1_bn_m, blk1_bn_v):
    b, n = inputs.shape[0], inputs.shape[1]
    # ---- OrthogonalTNet (dropout = identity at inference) ----
    x = inputs @ t_conv_w + t_conv_b            # Conv1D kernel=1 == pointwise dense
    x = _swish(_bn(x, t_bn1_g, t_bn1_b, t_bn1_m, t_bn1_v))
    x = jnp.max(x, axis=1)                      # GlobalMaxPooling1D
    x = x @ t_d1_w + t_d1_b
    x = _swish(_bn(x, t_bn2_g, t_bn2_b, t_bn2_m, t_bn2_v))
    x = x @ t_d2_w + t_d2_b                     # [B, 9]
    transform = x.reshape(b, 3, 3)
    pct = jnp.matmul(inputs, transform)         # [B, N, 3]
    # ---- pairwise distances (safe sqrt: top_k only consumes indices) ----
    diff = pct[:, :, None, :] - pct[:, None, :, :]
    dist = jnp.sqrt(jnp.maximum(jnp.sum(diff * diff, axis=-1), 1e-12))  # [B, N, N]
    # ---- multi-scale grouping via ball-query mask + top_k + gather ----
    grouped = []
    for r in RADII:
        mask = (dist <= r).astype(jnp.float32)
        _, idx = jax.lax.top_k(mask, K)          # [B, N, K]
        g = jax.vmap(lambda p, i: p[i])(pct, idx)  # gather, batch_dims=1 -> [B, N, K, 3]
        grouped.append(g)
    feats = jnp.concatenate(grouped, axis=-1)    # [B, N, K, 9]
    # ---- pointwise conv stack (Conv1D kernel=1 acts on last channel axis) ----
    f = feats @ c1_w + c1_b
    f = _swish(_bn(f, bn1_g, bn1_b, bn1_m, bn1_v))
    res = f @ res_w + res_b                      # residual_conv; reshape is identity
    f = f + res
    f = f @ blk0_w + blk0_b
    f = _swish(_bn(f, blk0_bn_g, blk0_bn_b, blk0_bn_m, blk0_bn_v))
    f = f @ blk1_w + blk1_b
    f = _swish(_bn(f, blk1_bn_g, blk1_bn_b, blk1_bn_m, blk1_bn_v))
    f = f.reshape(b, n, K * f.shape[-1])         # [B, N, K*128]
    return jnp.max(f, axis=1)                    # GlobalMaxPooling1D -> [B, 2048]


def reference(inputs, t_conv_w, t_conv_b, t_bn1_g, t_bn1_b, t_bn1_m, t_bn1_v,
              t_d1_w, t_d1_b, t_bn2_g, t_bn2_b, t_bn2_m, t_bn2_v, t_d2_w, t_d2_b,
              c1_w, c1_b, bn1_g, bn1_b, bn1_m, bn1_v, res_w, res_b,
              blk0_w, blk0_b, blk0_bn_g, blk0_bn_b, blk0_bn_m, blk0_bn_v,
              blk1_w, blk1_b, blk1_bn_g, blk1_bn_b, blk1_bn_m, blk1_bn_v):
    return _forward(inputs, t_conv_w, t_conv_b, t_bn1_g, t_bn1_b, t_bn1_m, t_bn1_v,
                    t_d1_w, t_d1_b, t_bn2_g, t_bn2_b, t_bn2_m, t_bn2_v, t_d2_w, t_d2_b,
                    c1_w, c1_b, bn1_g, bn1_b, bn1_m, bn1_v, res_w, res_b,
                    blk0_w, blk0_b, blk0_bn_g, blk0_bn_b, blk0_bn_m, blk0_bn_v,
                    blk1_w, blk1_b, blk1_bn_g, blk1_bn_b, blk1_bn_m, blk1_bn_v)

if __name__ == "__main__":
    import jax
    _d = setup_inputs()
    print(jax.jit(kernel)(*tuple(_d.values())))

</pallas_src>

<mosaic_0001>
#map = affine_map<(d0, d1) -> (0, 0, 0)>
#map1 = affine_map<(d0, d1) -> (0, 0)>
module attributes {stable_mosaic.version = 14 : i64} {
  func.func @_sc_select_body(%arg0: i32, %arg1: i32, %arg2: memref<4x1024x1024xf32, #tpu.memory_space<hbm>>, %arg3: memref<4x3072xf32, #tpu.memory_space<hbm>>, %arg4: memref<4x16384x16xf32, #tpu.memory_space<hbm>>, %arg5: memref<32x1024xf32, #tpu.memory_space<vmem>>, %arg6: memref<3072xf32, #tpu.memory_space<vmem>>, %arg7: memref<512x16xf32, #tpu.memory_space<vmem>>, %arg8: memref<32xi32, #tpu.memory_space<vmem>>, %arg9: memref<32xi32, #tpu.memory_space<vmem>>, %arg10: memref<32xi32, #tpu.memory_space<vmem>>, %arg11: memref<32xi32, #tpu.memory_space<vmem>>, %arg12: memref<32xi32, #tpu.memory_space<vmem>>, %arg13: memref<32xi32, #tpu.memory_space<vmem>>, %arg14: memref<1040xi32, #tpu.memory_space<vmem>>, %arg15: memref<1040xi32, #tpu.memory_space<vmem>>) attributes {dimension_semantics = [#tpu.dimension_semantics<core_parallel>, #tpu.dimension_semantics<subcore_parallel>], iteration_bounds = array<i64: 2, 16>, scalar_prefetch = 0 : i64, scratch_operands = 11 : i64, tpu.core_type = #tpu.core_type<sc_vector_subcore>, window_params = [{transform_indices = #map}, {transform_indices = #map1}, {transform_indices = #map}]} {
    %mul3A = arith.constant 2 : i32
    %mul3A_0 = arith.muli %arg1, %mul3A : i32
    %add3A = arith.addi %mul3A_0, %arg0 : i32
    %jit3A = arith.constant 8 : i32
    %div3A = arith.divsi %add3A, %jit3A : i32
    %sign3A = arith.constant 0 : i32
    %sign3A_1 = arith.cmpi sgt, %add3A, %sign3A : i32
    %sign3A_2 = arith.extui %sign3A_1 : i1 to i32
    %sign3A_3 = arith.constant 0 : i32
    %sign3A_4 = arith.cmpi slt, %add3A, %sign3A_3 : i32
    %sign3A_5 = arith.extui %sign3A_4 : i1 to i32
    %sign3A_6 = arith.subi %sign3A_2, %sign3A_5 : i32
    %sign3A_7 = arith.constant 0 : i32
    %sign3A_8 = arith.cmpi sgt, %jit3A, %sign3A_7 : i32
    %sign3A_9 = arith.extui %sign3A_8 : i1 to i32
    %sign3A_10 = arith.constant 0 : i32
    %sign3A_11 = arith.cmpi slt, %jit3A, %sign3A_10 : i32
    %sign3A_12 = arith.extui %sign3A_11 : i1 to i32
    %sign3A_13 = arith.subi %sign3A_9, %sign3A_12 : i32
    %ne3A = arith.cmpi ne, %sign3A_6, %sign3A_13 : i32
    %rem3A = arith.remsi %add3A, %jit3A : i32
    %ne3A_14 = arith.constant 0 : i32
    %ne3A_15 = arith.cmpi ne, %rem3A, %ne3A_14 : i32
    %and3A = arith.andi %ne3A, %ne3A_15 : i1
    %sub3A = arith.constant 1 : i32
    %sub3A_16 = arith.subi %div3A, %sub3A : i32
    %select_n3A = arith.select %and3A, %sub3A_16, %div3A : i32
    %jit3A_17 = arith.constant 8 : i32
    %eq3A = arith.constant 0 : i32
    %eq3A_18 = arith.cmpi eq, %jit3A_17, %eq3A : i32
    %jit3A_19 = arith.constant 1 : i32
    %select_n3A_20 = arith.select %eq3A_18, %jit3A_19, %jit3A_17 : i32
    %rem3A_21 = arith.remsi %add3A, %select_n3A_20 : i32
    %ne3A_22 = arith.constant 0 : i32
    %ne3A_23 = arith.cmpi ne, %rem3A_21, %ne3A_22 : i32
    %lt3A = arith.constant 0 : i32
    %lt3A_24 = arith.cmpi slt, %rem3A_21, %lt3A : i32
    %lt3A_25 = arith.constant 0 : i32
    %lt3A_26 = arith.cmpi slt, %select_n3A_20, %lt3A_25 : i32
    %ne3A_27 = arith.xori %lt3A_24, %lt3A_26 : i1
    %and3A_28 = arith.andi %ne3A_27, %ne3A_23 : i1
    %add3A_29 = arith.addi %rem3A_21, %select_n3A_20 : i32
    %select_n3A_30 = arith.select %and3A_28, %add3A_29, %rem3A_21 : i32
    %mul3A_31 = arith.constant 128 : i32
    %mul3A_32 = arith.muli %select_n3A_30, %mul3A_31 : i32
    "tpu.region"() ({
      %run_scoped3A = tpu.sem_alloc : memref<!tpu.dma_semaphore, #tpu.memory_space<semaphore_mem>>
      %dma_start3A = arith.constant 0 : i32
      %dma_start3A_46 = tpu.memref_slice %arg3[%select_n3A, %dma_start3A] : memref<4x3072xf32, #tpu.memory_space<hbm>> -> memref<1x3072xf32, #tpu.memory_space<hbm>>
      %dma_start3A_47 = tpu.memref_squeeze %dma_start3A_46 : memref<1x3072xf32, #tpu.memory_space<hbm>> -> memref<3072xf32, #tpu.memory_space<hbm>>
      %dma_start3A_48 = arith.constant 0 : i32
      %dma_start3A_49 = tpu.memref_slice %arg3[%select_n3A, %dma_start3A_48] : memref<4x3072xf32, #tpu.memory_space<hbm>> -> memref<1x3072xf32, #tpu.memory_space<hbm>>
      %dma_start3A_50 = tpu.memref_squeeze %dma_start3A_49 : memref<1x3072xf32, #tpu.memory_space<hbm>> -> memref<3072xf32, #tpu.memory_space<hbm>>
      tpu.enqueue_dma source(%dma_start3A_50 : memref<3072xf32, #tpu.memory_space<hbm>>) target(%arg6 : memref<3072xf32, #tpu.memory_space<vmem>>) target_semaphore(%run_scoped3A : memref<!tpu.dma_semaphore, #tpu.memory_space<semaphore_mem>>)
      %dma_wait3A = arith.constant 0 : i32
      %dma_wait3A_51 = tpu.memref_slice %arg3[%select_n3A, %dma_wait3A] : memref<4x3072xf32, #tpu.memory_space<hbm>> -> memref<1x3072xf32, #tpu.memory_space<hbm>>
      %dma_wait3A_52 = tpu.memref_squeeze %dma_wait3A_51 : memref<1x3072xf32, #tpu.memory_space<hbm>> -> memref<3072xf32, #tpu.memory_space<hbm>>
      %dma_wait3A_53 = arith.constant 0 : i32
      %dma_wait3A_54 = tpu.memref_slice %arg3[%select_n3A, %dma_wait3A_53] : memref<4x3072xf32, #tpu.memory_space<hbm>> -> memref<1x3072xf32, #tpu.memory_space<hbm>>
      %dma_wait3A_55 = tpu.memref_squeeze %dma_wait3A_54 : memref<1x3072xf32, #tpu.memory_space<hbm>> -> memref<3072xf32, #tpu.memory_space<hbm>>
      tpu.wait_dma2 semaphore(%run_scoped3A : memref<!tpu.dma_semaphore, #tpu.memory_space<semaphore_mem>>) src(%dma_wait3A_55 : memref<3072xf32, #tpu.memory_space<hbm>>) dst(%arg6 : memref<3072xf32, #tpu.memory_space<vmem>>)
      tpu.yield
    }) : () -> ()
    %iota3A = tpu.iota {dimensions = array<i32: 0>} : vector<16xi32>
    %scan3A = arith.constant 0 : i32
    %scan3A_33 = arith.constant 0 : i32
    %scan3A_34 = arith.constant 512 : i32
    %scan3A_35 = arith.addi %scan3A_33, %scan3A_34 : i32
    %scan3A_36 = arith.constant 1 : i32
    %scan3A_37 = scf.for %scan3A_46 = %scan3A_33 to %scan3A_35 step %scan3A_36 iter_args(%scan3A_47 = %scan3A) -> (i32)  : i32 {
      %broadcast_in_dim3A = arith.constant 0.000000e+00 : f32
      %broadcast_in_dim3A_48 = vector.broadcast %broadcast_in_dim3A : f32 to vector<16xf32>
      %swap3A = arith.index_cast %scan3A_46 : i32 to index
      %swap3A_49 = arith.constant 0 : index
      %swap3A_50 = tpu.vector_load %arg7[%swap3A, %swap3A_49] {strides = array<i32>} : memref<512x16xf32, #tpu.memory_space<vmem>>, vector<16xf32>,
      tpu.vector_store %arg7[%swap3A, %swap3A_49], %broadcast_in_dim3A_48 {strides = array<i32>} : memref<512x16xf32, #tpu.memory_space<vmem>>, vector<16xf32>,
      %scan3A_51 = arith.constant 0 : i32
      scf.yield %scan3A_51 : i32
    }
    %scan3A_38 = arith.constant 512 : i32
    %scan3A_39 = arith.constant 0 : i32
    %scan3A_40 = arith.constant 0 : i32
    %scan3A_41 = arith.constant 4 : i32
    %scan3A_42 = arith.addi %scan3A_40, %scan3A_41 : i32
    %scan3A_43 = arith.constant 1 : i32
    %scan3A_44 = scf.for %scan3A_46 = %scan3A_40 to %scan3A_42 step %scan3A_43 iter_args(%scan3A_47 = %scan3A_39) -> (i32)  : i32 {
      %mul3A_48 = arith.constant 32 : i32
      %mul3A_49 = arith.muli %scan3A_46, %mul3A_48 : i32
      %add3A_50 = arith.addi %mul3A_32, %mul3A_49 : i32
      "tpu.region"() ({
        %run_scoped3A = tpu.sem_alloc : memref<!tpu.dma_semaphore, #tpu.memory_space<semaphore_mem>>
        %dma_start3A = arith.constant 0 : i32
        %dma_start3A_61 = tpu.memref_slice %arg2[%select_n3A, %add3A_50, %dma_start3A] : memref<4x1024x1024xf32, #tpu.memory_space<hbm>> -> memref<1x32x1024xf32, #tpu.memory_space<hbm>>
        %dma_start3A_62 = tpu.memref_squeeze %dma_start3A_61 : memref<1x32x1024xf32, #tpu.memory_space<hbm>> -> memref<32x1024xf32, #tpu.memory_space<hbm>>
        %dma_start3A_63 = arith.constant 0 : i32
        %dma_start3A_64 = tpu.memref_slice %arg2[%select_n3A, %add3A_50, %dma_start3A_63] : memref<4x1024x1024xf32, #tpu.memory_space<hbm>> -> memref<1x32x1024xf32, #tpu.memory_space<hbm>>
        %dma_start3A_65 = tpu.memref_squeeze %dma_start3A_64 : memref<1x32x1024xf32, #tpu.memory_space<hbm>> -> memref<32x1024xf32, #tpu.memory_space<hbm>>
        tpu.enqueue_dma source(%dma_start3A_65 : memref<32x1024xf32, #tpu.memory_space<hbm>>) target(%arg5 : memref<32x1024xf32, #tpu.memory_space<vmem>>) target_semaphore(%run_scoped3A : memref<!tpu.dma_semaphore, #tpu.memory_space<semaphore_mem>>)
        %dma_wait3A = arith.constant 0 : i32
        %dma_wait3A_66 = tpu.memref_slice %arg2[%select_n3A, %add3A_50, %dma_wait3A] : memref<4x1024x1024xf32, #tpu.memory_space<hbm>> -> memref<1x32x1024xf32, #tpu.memory_space<hbm>>
        %dma_wait3A_67 = tpu.memref_squeeze %dma_wait3A_66 : memref<1x32x1024xf32, #tpu.memory_space<hbm>> -> memref<32x1024xf32, #tpu.memory_space<hbm>>
        %dma_wait3A_68 = arith.constant 0 : i32
        %dma_wait3A_69 = tpu.memref_slice %arg2[%select_n3A, %add3A_50, %dma_wait3A_68] : memref<4x1024x1024xf32, #tpu.memory_space<hbm>> -> memref<1x32x1024xf32, #tpu.memory_space<hbm>>
        %dma_wait3A_70 = tpu.memref_squeeze %dma_wait3A_69 : memref<1x32x1024xf32, #tpu.memory_space<hbm>> -> memref<32x1024xf32, #tpu.memory_space<hbm>>
        tpu.wait_dma2 semaphore(%run_scoped3A : memref<!tpu.dma_semaphore, #tpu.memory_space<semaphore_mem>>) src(%dma_wait3A_70 : memref<32x1024xf32, #tpu.memory_space<hbm>>) dst(%arg5 : memref<32x1024xf32, #tpu.memory_space<vmem>>)
        tpu.yield
      }) : () -> ()
      %scan3A_51 = arith.constant 0 : i32
      %scan3A_52 = arith.constant 0 : i32
      %scan3A_53 = arith.constant 16 : i32
      %scan3A_54 = arith.addi %scan3A_52, %scan3A_53 : i32
      %scan3A_55 = arith.constant 1 : i32
      %scan3A_56 = scf.for %scan3A_61 = %scan3A_52 to %scan3A_54 step %scan3A_55 iter_args(%scan3A_62 = %scan3A_51) -> (i32)  : i32 {
        %mul3A_63 = arith.constant 2 : i32
        %mul3A_64 = arith.muli %scan3A_61, %mul3A_63 : i32
        %add3A_65 = arith.constant 1 : i32
        %add3A_66 = arith.addi %mul3A_64, %add3A_65 : i32
        %scan3A_67 = arith.constant 0 : i32
        %scan3A_68 = arith.constant 0 : i32
        %scan3A_69 = arith.constant 0 : i32
        %scan3A_70 = arith.constant 32 : i32
        %scan3A_71 = arith.addi %scan3A_69, %scan3A_70 : i32
        %scan3A_72 = arith.constant 1 : i32
        %scan3A_73:2 = scf.for %scan3A_451 = %scan3A_69 to %scan3A_71 step %scan3A_72 iter_args(%scan3A_452 = %scan3A_67, %scan3A_453 = %scan3A_68) -> (i32, i32)  : i32 {
          %mul3A_454 = arith.constant 2 : i32
          %mul3A_455 = arith.muli %scan3A_451, %mul3A_454 : i32
          %add3A_456 = arith.constant 0 : i32
          %add3A_457 = arith.addi %mul3A_455, %add3A_456 : i32
          %mul3A_458 = arith.constant 16 : i32
          %mul3A_459 = arith.muli %add3A_457, %mul3A_458 : i32
          %get3A = arith.index_cast %mul3A_64 : i32 to index
          %get3A_460 = arith.index_cast %mul3A_459 : i32 to index
          %get3A_461 = tpu.vector_load %arg5[%get3A, %get3A_460] {strides = array<i32>} : memref<32x1024xf32, #tpu.memory_space<vmem>>, vector<16xf32>,
          %mul3A_462 = arith.constant 16 : i32
          %mul3A_463 = arith.muli %add3A_457, %mul3A_462 : i32
          %get3A_464 = arith.index_cast %add3A_66 : i32 to index
          %get3A_465 = arith.index_cast %mul3A_463 : i32 to index
          %get3A_466 = tpu.vector_load %arg5[%get3A_464, %get3A_465] {strides = array<i32>} : memref<32x1024xf32, #tpu.memory_space<vmem>>, vector<16xf32>,
          %le3A = arith.constant 6.000000e-01 : f32
          %le3A_467 = vector.broadcast %le3A : f32 to vector<16xf32>
          %le3A_468 = arith.cmpf ole, %get3A_461, %le3A_467 : vector<16xf32>
          %le3A_469 = arith.constant 6.000000e-01 : f32
          %le3A_470 = vector.broadcast %le3A_469 : f32 to vector<16xf32>
          %le3A_471 = arith.cmpf ole, %get3A_466, %le3A_470 : vector<16xf32>
          %mul3A_472 = arith.constant 16 : i32
          %mul3A_473 = arith.muli %add3A_457, %mul3A_472 : i32
          %add3A_474 = vector.broadcast %mul3A_473 : i32 to vector<16xi32>
          %add3A_475 = arith.addi %iota3A, %add3A_474 : vector<16xi32>
          %swap3A = arith.index_cast %scan3A_452 : i32 to index
          %swap3A_476 = tpu.vector_load %arg14[%swap3A] masked %le3A_468 {strides = array<i32>} : memref<1040xi32, #tpu.memory_space<vmem>>, vector<16xi32>, vector<16xi1>
          tpu.vector_store %arg14[%swap3A], %add3A_475 masked %le3A_468 {strides = array<i32>} : memref<1040xi32, #tpu.memory_space<vmem>>, vector<16xi32>, vector<16xi1>
          %mul3A_477 = arith.constant 16 : i32
          %mul3A_478 = arith.muli %add3A_457, %mul3A_477 : i32
          %add3A_479 = vector.broadcast %mul3A_478 : i32 to vector<16xi32>
          %add3A_480 = arith.addi %iota3A, %add3A_479 : vector<16xi32>
          %swap3A_481 = arith.index_cast %scan3A_453 : i32 to index
          %swap3A_482 = tpu.vector_load %arg15[%swap3A_481] masked %le3A_471 {strides = array<i32>} : memref<1040xi32, #tpu.memory_space<vmem>>, vector<16xi32>, vector<16xi1>
          tpu.vector_store %arg15[%swap3A_481], %add3A_480 masked %le3A_471 {strides = array<i32>} : memref<1040xi32, #tpu.memory_space<vmem>>, vector<16xi32>, vector<16xi1>
          %all_reduce_population_count3A = tpu.all_reduce %le3A_468 {dim = 0 : i64, kind = #tpu.reduction_kind<sum>} : vector<16xi1> -> vector<16xi32>
          %slice3A = vector.extract_strided_slice %all_reduce_population_count3A {offsets = [0], sizes = [1], strides = [1]} : vector<16xi32> to vector<1xi32>
          %squeeze3A = vector.extract %slice3A[0] : i32 from vector<1xi32>
          %add3A_483 = arith.addi %scan3A_452, %squeeze3A : i32
          %all_reduce_population_count3A_484 = tpu.all_reduce %le3A_471 {dim = 0 : i64, kind = #tpu.reduction_kind<sum>} : vector<16xi1> -> vector<16xi32>
          %slice3A_485 = vector.extract_strided_slice %all_reduce_population_count3A_484 {offsets = [0], sizes = [1], strides = [1]} : vector<16xi32> to vector<1xi32>
          %squeeze3A_486 = vector.extract %slice3A_485[0] : i32 from vector<1xi32>
          %add3A_487 = arith.addi %scan3A_453, %squeeze3A_486 : i32
          %mul3A_488 = arith.constant 2 : i32
          %mul3A_489 = arith.muli %scan3A_451, %mul3A_488 : i32
          %add3A_490 = arith.constant 1 : i32
          %add3A_491 = arith.addi %mul3A_489, %add3A_490 : i32
          %mul3A_492 = arith.constant 16 : i32
          %mul3A_493 = arith.muli %add3A_491, %mul3A_492 : i32
          %get3A_494 = arith.index_cast %mul3A_64 : i32 to index
          %get3A_495 = arith.index_cast %mul3A_493 : i32 to index
          %get3A_496 = tpu.vector_load %arg5[%get3A_494, %get3A_495] {strides = array<i32>} : memref<32x1024xf32, #tpu.memory_space<vmem>>, vector<16xf32>,
          %mul3A_497 = arith.constant 16 : i32
          %mul3A_498 = arith.muli %add3A_491, %mul3A_497 : i32
          %get3A_499 = arith.index_cast %add3A_66 : i32 to index
          %get3A_500 = arith.index_cast %mul3A_498 : i32 to index
          %get3A_501 = tpu.vector_load %arg5[%get3A_499, %get3A_500] {strides = array<i32>} : memref<32x1024xf32, #tpu.memory_space<vmem>>, vector<16xf32>,
          %le3A_502 = arith.constant 6.000000e-01 : f32
          %le3A_503 = vector.broadcast %le3A_502 : f32 to vector<16xf32>
          %le3A_504 = arith.cmpf ole, %get3A_496, %le3A_503 : vector<16xf32>
          %le3A_505 = arith.constant 6.000000e-01 : f32
          %le3A_506 = vector.broadcast %le3A_505 : f32 to vector<16xf32>
          %le3A_507 = arith.cmpf ole, %get3A_501, %le3A_506 : vector<16xf32>
          %mul3A_508 = arith.constant 16 : i32
          %mul3A_509 = arith.muli %add3A_491, %mul3A_508 : i32
          %add3A_510 = vector.broadcast %mul3A_509 : i32 to vector<16xi32>
          %add3A_511 = arith.addi %iota3A, %add3A_510 : vector<16xi32>
          %swap3A_512 = arith.index_cast %add3A_483 : i32 to index
          %swap3A_513 = tpu.vector_load %arg14[%swap3A_512] masked %le3A_504 {strides = array<i32>} : memref<1040xi32, #tpu.memory_space<vmem>>, vector<16xi32>, vector<16xi1>
          tpu.vector_store %arg14[%swap3A_512], %add3A_511 masked %le3A_504 {strides = array<i32>} : memref<1040xi32, #tpu.memory_space<vmem>>, vector<16xi32>, vector<16xi1>
          %mul3A_514 = arith.constant 16 : i32
          %mul3A_515 = arith.muli %add3A_491, %mul3A_514 : i32
          %add3A_516 = vector.broadcast %mul3A_515 : i32 to vector<16xi32>
          %add3A_517 = arith.addi %iota3A, %add3A_516 : vector<16xi32>
          %swap3A_518 = arith.index_cast %add3A_487 : i32 to index
          %swap3A_519 = tpu.vector_load %arg15[%swap3A_518] masked %le3A_507 {strides = array<i32>} : memref<1040xi32, #tpu.memory_space<vmem>>, vector<16xi32>, vector<16xi1>
          tpu.vector_store %arg15[%swap3A_518], %add3A_517 masked %le3A_507 {strides = array<i32>} : memref<1040xi32, #tpu.memory_space<vmem>>, vector<16xi32>, vector<16xi1>
          %all_reduce_population_count3A_520 = tpu.all_reduce %le3A_504 {dim = 0 : i64, kind = #tpu.reduction_kind<sum>} : vector<16xi1> -> vector<16xi32>
          %slice3A_521 = vector.extract_strided_slice %all_reduce_population_count3A_520 {offsets = [0], sizes = [1], strides = [1]} : vector<16xi32> to vector<1xi32>
          %squeeze3A_522 = vector.extract %slice3A_521[0] : i32 from vector<1xi32>
          %add3A_523 = arith.addi %add3A_483, %squeeze3A_522 : i32
          %all_reduce_population_count3A_524 = tpu.all_reduce %le3A_507 {dim = 0 : i64, kind = #tpu.reduction_kind<sum>} : vector<16xi1> -> vector<16xi32>
          %slice3A_525 = vector.extract_strided_slice %all_reduce_population_count3A_524 {offsets = [0], sizes = [1], strides = [1]} : vector<16xi32> to vector<1xi32>
          %squeeze3A_526 = vector.extract %slice3A_525[0] : i32 from vector<1xi32>
          %add3A_527 = arith.addi %add3A_487, %squeeze3A_526 : i32
          scf.yield %add3A_523, %add3A_527 : i32, i32
        }
        %scan3A_74 = arith.constant 32 : i32
        %add3A_75 = arith.constant 16 : i32
        %add3A_76 = arith.addi %scan3A_73#0, %add3A_75 : i32
        %sub3A_77 = arith.constant 1 : i32
        %sub3A_78 = arith.subi %add3A_76, %sub3A_77 : i32
        %jit3A_79 = arith.constant 16 : i32
        %div3A_80 = arith.divsi %sub3A_78, %jit3A_79 : i32
        %sign3A_81 = arith.constant 0 : i32
        %sign3A_82 = arith.cmpi sgt, %sub3A_78, %sign3A_81 : i32
        %sign3A_83 = arith.extui %sign3A_82 : i1 to i32
        %sign3A_84 = arith.constant 0 : i32
        %sign3A_85 = arith.cmpi slt, %sub3A_78, %sign3A_84 : i32
        %sign3A_86 = arith.extui %sign3A_85 : i1 to i32
        %sign3A_87 = arith.subi %sign3A_83, %sign3A_86 : i32
        %sign3A_88 = arith.constant 0 : i32
        %sign3A_89 = arith.cmpi sgt, %jit3A_79, %sign3A_88 : i32
        %sign3A_90 = arith.extui %sign3A_89 : i1 to i32
        %sign3A_91 = arith.constant 0 : i32
        %sign3A_92 = arith.cmpi slt, %jit3A_79, %sign3A_91 : i32
        %sign3A_93 = arith.extui %sign3A_92 : i1 to i32
        %sign3A_94 = arith.subi %sign3A_90, %sign3A_93 : i32
        %ne3A_95 = arith.cmpi ne, %sign3A_87, %sign3A_94 : i32
        %rem3A_96 = arith.remsi %sub3A_78, %jit3A_79 : i32
        %ne3A_97 = arith.constant 0 : i32
        %ne3A_98 = arith.cmpi ne, %rem3A_96, %ne3A_97 : i32
        %and3A_99 = arith.andi %ne3A_95, %ne3A_98 : i1
        %sub3A_100 = arith.constant 1 : i32
        %sub3A_101 = arith.subi %div3A_80, %sub3A_100 : i32
        %select_n3A_102 = arith.select %and3A_99, %sub3A_101, %div3A_80 : i32
        %while3A = arith.constant 0 : i32
        %while3A_103 = arith.constant 0 : i32
        %while3A_104 = arith.constant 0 : i32
        %while3A_105:3 = scf.while (%while3A_451 = %while3A, %while3A_452 = %while3A_103, %while3A_453 = %while3A_104) : (i32, i32, i32) -> (i32, i32, i32) {
          %lt3A_454 = arith.cmpi slt, %while3A_451, %select_n3A_102 : i32
          %lt3A_455 = arith.constant 16 : i32
          %lt3A_456 = arith.cmpi slt, %while3A_452, %lt3A_455 : i32
          %lt3A_457 = arith.constant 16 : i32
          %lt3A_458 = arith.cmpi slt, %while3A_453, %lt3A_457 : i32
          %or3A = arith.ori %lt3A_456, %lt3A_458 : i1
          %and3A_459 = arith.andi %lt3A_454, %or3A : i1
          scf.condition(%and3A_459) %while3A_451, %while3A_452, %while3A_453 : i32, i32, i32
        } do {
        ^bb0(%while3A_451: i32, %while3A_452: i32, %while3A_453: i32):
          %mul3A_454 = arith.constant 16 : i32
          %mul3A_455 = arith.muli %while3A_451, %mul3A_454 : i32
          %get3A = arith.index_cast %mul3A_455 : i32 to index
          %get3A_456 = tpu.vector_load %arg14[%get3A] {strides = array<i32>} : memref<1040xi32, #tpu.memory_space<vmem>>, vector<16xi32>,
          %mul3A_457 = arith.constant 16 : i32
          %mul3A_458 = arith.muli %while3A_451, %mul3A_457 : i32
          %add3A_459 = vector.broadcast %mul3A_458 : i32 to vector<16xi32>
          %add3A_460 = arith.addi %add3A_459, %iota3A : vector<16xi32>
          %lt3A_461 = vector.broadcast %scan3A_73#0 : i32 to vector<16xi32>
          %lt3A_462 = arith.cmpi slt, %add3A_460, %lt3A_461 : vector<16xi32>
          %mul3A_463 = arith.constant 0 : i32
          %mul3A_464 = vector.broadcast %mul3A_463 : i32 to vector<16xi32>
          %mul3A_465 = arith.muli %iota3A, %mul3A_464 : vector<16xi32>
          %select_n3A_466 = arith.select %lt3A_462, %get3A_456, %mul3A_465 : vector<16xi1>, vector<16xi32>
          %mul3A_467 = arith.constant 0 : i32
          %mul3A_468 = vector.broadcast %mul3A_467 : i32 to vector<16xi32>
          %mul3A_469 = arith.muli %iota3A, %mul3A_468 : vector<16xi32>
          %add3A_470 = vector.broadcast %mul3A_64 : i32 to vector<16xi32>
          %add3A_471 = arith.addi %mul3A_469, %add3A_470 : vector<16xi32>
          %gather3A_472 = tpu.vector_load_idx %arg5[%add3A_471, %select_n3A_466] : memref<32x1024xf32, #tpu.memory_space<vmem>>[vector<16xi32>, vector<16xi32>], vector<16xf32>,
          %le3A = arith.constant 1.000000e-01 : f32
          %le3A_473 = vector.broadcast %le3A : f32 to vector<16xf32>
          %le3A_474 = arith.cmpf ole, %gather3A_472, %le3A_473 : vector<16xf32>
          %and3A_475 = arith.andi %le3A_474, %lt3A_462 : vector<16xi1>
          %le3A_476 = arith.constant 3.000000e-01 : f32
          %le3A_477 = vector.broadcast %le3A_476 : f32 to vector<16xf32>
          %le3A_478 = arith.cmpf ole, %gather3A_472, %le3A_477 : vector<16xf32>
          %and3A_479 = arith.andi %le3A_478, %lt3A_462 : vector<16xi1>
          %all_reduce_population_count3A = tpu.all_reduce %and3A_475 {dim = 0 : i64, kind = #tpu.reduction_kind<sum>} : vector<16xi1> -> vector<16xi32>
          %slice3A = vector.extract_strided_slice %all_reduce_population_count3A {offsets = [0], sizes = [1], strides = [1]} : vector<16xi32> to vector<1xi32>
          %squeeze3A = vector.extract %slice3A[0] : i32 from vector<1xi32>
          %all_reduce_population_count3A_480 = tpu.all_reduce %and3A_479 {dim = 0 : i64, kind = #tpu.reduction_kind<sum>} : vector<16xi1> -> vector<16xi32>
          %slice3A_481 = vector.extract_strided_slice %all_reduce_population_count3A_480 {offsets = [0], sizes = [1], strides = [1]} : vector<16xi32> to vector<1xi32>
          %squeeze3A_482 = vector.extract %slice3A_481[0] : i32 from vector<1xi32>
          %lt3A_483 = arith.constant 16 : i32
          %lt3A_484 = arith.cmpi slt, %while3A_452, %lt3A_483 : i32
          %convert_element_type3A = arith.extui %lt3A_484 : i1 to i32
          %cond3A = arith.constant 0 : i32
          %cond3A_485 = arith.cmpi ne, %convert_element_type3A, %cond3A : i32
          scf.if %cond3A_485 {
            %swap3A = arith.index_cast %while3A_452 : i32 to index
            %swap3A_495 = tpu.vector_load %arg8[%swap3A] masked %and3A_475 {strides = array<i32>} : memref<32xi32, #tpu.memory_space<vmem>>, vector<16xi32>, vector<16xi1>
            tpu.vector_store %arg8[%swap3A], %select_n3A_466 masked %and3A_475 {strides = array<i32>} : memref<32xi32, #tpu.memory_space<vmem>>, vector<16xi32>, vector<16xi1>
          } else {
          }
          %lt3A_486 = arith.constant 16 : i32
          %lt3A_487 = arith.cmpi slt, %while3A_453, %lt3A_486 : i32
          %convert_element_type3A_488 = arith.extui %lt3A_487 : i1 to i32
          %cond3A_489 = arith.constant 0 : i32
          %cond3A_490 = arith.cmpi ne, %convert_element_type3A_488, %cond3A_489 : i32
          scf.if %cond3A_490 {
            %swap3A = arith.index_cast %while3A_453 : i32 to index
            %swap3A_495 = tpu.vector_load %arg9[%swap3A] masked %and3A_479 {strides = array<i32>} : memref<32xi32, #tpu.memory_space<vmem>>, vector<16xi32>, vector<16xi1>
            tpu.vector_store %arg9[%swap3A], %select_n3A_466 masked %and3A_479 {strides = array<i32>} : memref<32xi32, #tpu.memory_space<vmem>>, vector<16xi32>, vector<16xi1>
          } else {
          }
          %add3A_491 = arith.constant 1 : i32
          %add3A_492 = arith.addi %while3A_451, %add3A_491 : i32
          %add3A_493 = arith.addi %while3A_452, %squeeze3A : i32
          %add3A_494 = arith.addi %while3A_453, %squeeze3A_482 : i32
          scf.yield %add3A_492, %add3A_493, %add3A_494 : i32, i32, i32
        }
        %while3A_106 = arith.constant 0 : i32
        %while3A_107 = arith.constant 0 : i32
        %while3A_108 = arith.constant 0 : i32
        %while3A_109 = arith.constant 0 : i32
        %while3A_110:4 = scf.while (%while3A_451 = %while3A_106, %while3A_452 = %while3A_107, %while3A_453 = %while3A_108, %while3A_454 = %while3A_109) : (i32, i32, i32, i32) -> (i32, i32, i32, i32) {
          %lt3A_455 = arith.constant 64 : i32
          %lt3A_456 = arith.cmpi slt, %while3A_451, %lt3A_455 : i32
          %lt3A_457 = arith.constant 16 : i32
          %lt3A_458 = arith.cmpi slt, %while3A_452, %lt3A_457 : i32
          %lt3A_459 = arith.constant 16 : i32
          %lt3A_460 = arith.cmpi slt, %while3A_453, %lt3A_459 : i32
          %or3A = arith.ori %lt3A_458, %lt3A_460 : i1
          %lt3A_461 = arith.constant 16 : i32
          %lt3A_462 = arith.cmpi slt, %while3A_454, %lt3A_461 : i32
          %or3A_463 = arith.ori %or3A, %lt3A_462 : i1
          %and3A_464 = arith.andi %lt3A_456, %or3A_463 : i1
          scf.condition(%and3A_464) %while3A_451, %while3A_452, %while3A_453, %while3A_454 : i32, i32, i32, i32
        } do {
        ^bb0(%while3A_451: i32, %while3A_452: i32, %while3A_453: i32, %while3A_454: i32):
          %mul3A_455 = arith.constant 16 : i32
          %mul3A_456 = arith.muli %while3A_451, %mul3A_455 : i32
          %get3A = arith.index_cast %mul3A_64 : i32 to index
          %get3A_457 = arith.index_cast %mul3A_456 : i32 to index
          %get3A_458 = tpu.vector_load %arg5[%get3A, %get3A_457] {strides = array<i32>} : memref<32x1024xf32, #tpu.memory_space<vmem>>, vector<16xf32>,
          %le3A = arith.constant 1.000000e-01 : f32
          %le3A_459 = vector.broadcast %le3A : f32 to vector<16xf32>
          %le3A_460 = arith.cmpf ole, %get3A_458, %le3A_459 : vector<16xf32>
          %not3A = arith.constant dense<true> : vector<16xi1>
          %not3A_461 = arith.xori %le3A_460, %not3A : vector<16xi1>
          %all_reduce_population_count3A = tpu.all_reduce %not3A_461 {dim = 0 : i64, kind = #tpu.reduction_kind<sum>} : vector<16xi1> -> vector<16xi32>
          %slice3A = vector.extract_strided_slice %all_reduce_population_count3A {offsets = [0], sizes = [1], strides = [1]} : vector<16xi32> to vector<1xi32>
          %squeeze3A = vector.extract %slice3A[0] : i32 from vector<1xi32>
          %lt3A_462 = arith.constant 16 : i32
          %lt3A_463 = arith.cmpi slt, %while3A_452, %lt3A_462 : i32
          %convert_element_type3A = arith.extui %lt3A_463 : i1 to i32
          %cond3A = arith.constant 0 : i32
          %cond3A_464 = arith.cmpi ne, %convert_element_type3A, %cond3A : i32
          scf.if %cond3A_464 {
            %mul3A_496 = arith.constant 16 : i32
            %mul3A_497 = arith.muli %while3A_451, %mul3A_496 : i32
            %add3A_498 = vector.broadcast %mul3A_497 : i32 to vector<16xi32>
            %add3A_499 = arith.addi %iota3A, %add3A_498 : vector<16xi32>
            %swap3A = arith.index_cast %while3A_452 : i32 to index
            %swap3A_500 = tpu.vector_load %arg11[%swap3A] masked %not3A_461 {strides = array<i32>} : memref<32xi32, #tpu.memory_space<vmem>>, vector<16xi32>, vector<16xi1>
            tpu.vector_store %arg11[%swap3A], %add3A_499 masked %not3A_461 {strides = array<i32>} : memref<32xi32, #tpu.memory_space<vmem>>, vector<16xi32>, vector<16xi1>
          } else {
          }
          %add3A_465 = arith.addi %while3A_452, %squeeze3A : i32
          %le3A_466 = arith.constant 3.000000e-01 : f32
          %le3A_467 = vector.broadcast %le3A_466 : f32 to vector<16xf32>
          %le3A_468 = arith.cmpf ole, %get3A_458, %le3A_467 : vector<16xf32>
          %not3A_469 = arith.constant dense<true> : vector<16xi1>
          %not3A_470 = arith.xori %le3A_468, %not3A_469 : vector<16xi1>
          %all_reduce_population_count3A_471 = tpu.all_reduce %not3A_470 {dim = 0 : i64, kind = #tpu.reduction_kind<sum>} : vector<16xi1> -> vector<16xi32>
          %slice3A_472 = vector.extract_strided_slice %all_reduce_population_count3A_471 {offsets = [0], sizes = [1], strides = [1]} : vector<16xi32> to vector<1xi32>
          %squeeze3A_473 = vector.extract %slice3A_472[0] : i32 from vector<1xi32>
          %lt3A_474 = arith.constant 16 : i32
          %lt3A_475 = arith.cmpi slt, %while3A_453, %lt3A_474 : i32
          %convert_element_type3A_476 = arith.extui %lt3A_475 : i1 to i32
          %cond3A_477 = arith.constant 0 : i32
          %cond3A_478 = arith.cmpi ne, %convert_element_type3A_476, %cond3A_477 : i32
          scf.if %cond3A_478 {
            %mul3A_496 = arith.constant 16 : i32
            %mul3A_497 = arith.muli %while3A_451, %mul3A_496 : i32
            %add3A_498 = vector.broadcast %mul3A_497 : i32 to vector<16xi32>
            %add3A_499 = arith.addi %iota3A, %add3A_498 : vector<16xi32>
            %swap3A = arith.index_cast %while3A_453 : i32 to index
            %swap3A_500 = tpu.vector_load %arg12[%swap3A] masked %not3A_470 {strides = array<i32>} : memref<32xi32, #tpu.memory_space<vmem>>, vector<16xi32>, vector<16xi1>
            tpu.vector_store %arg12[%swap3A], %add3A_499 masked %not3A_470 {strides = array<i32>} : memref<32xi32, #tpu.memory_space<vmem>>, vector<16xi32>, vector<16xi1>
          } else {
          }
          %add3A_479 = arith.addi %while3A_453, %squeeze3A_473 : i32
          %le3A_480 = arith.constant 6.000000e-01 : f32
          %le3A_481 = vector.broadcast %le3A_480 : f32 to vector<16xf32>
          %le3A_482 = arith.cmpf ole, %get3A_458, %le3A_481 : vector<16xf32>
          %not3A_483 = arith.constant dense<true> : vector<16xi1>
          %not3A_484 = arith.xori %le3A_482, %not3A_483 : vector<16xi1>
          %all_reduce_population_count3A_485 = tpu.all_reduce %not3A_484 {dim = 0 : i64, kind = #tpu.reduction_kind<sum>} : vector<16xi1> -> vector<16xi32>
          %slice3A_486 = vector.extract_strided_slice %all_reduce_population_count3A_485 {offsets = [0], sizes = [1], strides = [1]} : vector<16xi32> to vector<1xi32>
          %squeeze3A_487 = vector.extract %slice3A_486[0] : i32 from vector<1xi32>
          %lt3A_488 = arith.constant 16 : i32
          %lt3A_489 = arith.cmpi slt, %while3A_454, %lt3A_488 : i32
          %convert_element_type3A_490 = arith.extui %lt3A_489 : i1 to i32
          %cond3A_491 = arith.constant 0 : i32
          %cond3A_492 = arith.cmpi ne, %convert_element_type3A_490, %cond3A_491 : i32
          scf.if %cond3A_492 {
            %mul3A_496 = arith.constant 16 : i32
            %mul3A_497 = arith.muli %while3A_451, %mul3A_496 : i32
            %add3A_498 = vector.broadcast %mul3A_497 : i32 to vector<16xi32>
            %add3A_499 = arith.addi %iota3A, %add3A_498 : vector<16xi32>
            %swap3A = arith.index_cast %while3A_454 : i32 to index
            %swap3A_500 = tpu.vector_load %arg13[%swap3A] masked %not3A_484 {strides = array<i32>} : memref<32xi32, #tpu.memory_space<vmem>>, vector<16xi32>, vector<16xi1>
            tpu.vector_store %arg13[%swap3A], %add3A_499 masked %not3A_484 {strides = array<i32>} : memref<32xi32, #tpu.memory_space<vmem>>, vector<16xi32>, vector<16xi1>
          } else {
          }
          %add3A_493 = arith.addi %while3A_454, %squeeze3A_487 : i32
          %add3A_494 = arith.constant 1 : i32
          %add3A_495 = arith.addi %while3A_451, %add3A_494 : i32
          scf.yield %add3A_495, %add3A_465, %add3A_479, %add3A_493 : i32, i32, i32, i32
        }
        %min3A = arith.constant 16 : i32
        %min3A_111 = arith.minsi %while3A_105#1, %min3A : i32
        %lt3A_112 = vector.broadcast %min3A_111 : i32 to vector<16xi32>
        %lt3A_113 = arith.cmpi slt, %iota3A, %lt3A_112 : vector<16xi32>
        %gather3A = tpu.vector_load_idx %arg8[%iota3A] : memref<32xi32, #tpu.memory_space<vmem>>[vector<16xi32>], vector<16xi32>,
        %sub3A_114 = vector.broadcast %min3A_111 : i32 to vector<16xi32>
        %sub3A_115 = arith.subi %iota3A, %sub3A_114 : vector<16xi32>
        %max3A = arith.constant 0 : i32
        %max3A_116 = vector.broadcast %max3A : i32 to vector<16xi32>
        %max3A_117 = arith.maxsi %sub3A_115, %max3A_116 : vector<16xi32>
        %gather3A_118 = tpu.vector_load_idx %arg11[%max3A_117] : memref<32xi32, #tpu.memory_space<vmem>>[vector<16xi32>], vector<16xi32>,
        %select_n3A_119 = arith.select %lt3A_113, %gather3A, %gather3A_118 : vector<16xi1>, vector<16xi32>
        %mul3A_120 = arith.constant 3 : i32
        %mul3A_121 = vector.broadcast %mul3A_120 : i32 to vector<16xi32>
        %mul3A_122 = arith.muli %select_n3A_119, %mul3A_121 : vector<16xi32>
        %add3A_123 = arith.constant 0 : i32
        %add3A_124 = vector.broadcast %add3A_123 : i32 to vector<16xi32>
        %add3A_125 = arith.addi %mul3A_122, %add3A_124 : vector<16xi32>
        %gather3A_126 = tpu.vector_load_idx %arg6[%add3A_125] : memref<3072xf32, #tpu.memory_space<vmem>>[vector<16xi32>], vector<16xf32>,
        %broadcast_in_dim3A = arith.constant 0 : i32
        %broadcast_in_dim3A_127 = vector.broadcast %broadcast_in_dim3A : i32 to vector<16xi32>
        %mul3A_128 = arith.constant 16 : i32
        %mul3A_129 = arith.muli %mul3A_64, %mul3A_128 : i32
        %add3A_130 = vector.broadcast %mul3A_129 : i32 to vector<16xi32>
        %add3A_131 = arith.addi %add3A_130, %iota3A : vector<16xi32>
        tpu.vector_store_idx %arg7[%add3A_131, %broadcast_in_dim3A_127], %gather3A_126 : memref<512x16xf32, #tpu.memory_space<vmem>>[vector<16xi32>, vector<16xi32>], vector<16xf32>,
        %mul3A_132 = arith.constant 3 : i32
        %mul3A_133 = vector.broadcast %mul3A_132 : i32 to vector<16xi32>
        %mul3A_134 = arith.muli %select_n3A_119, %mul3A_133 : vector<16xi32>
        %add3A_135 = arith.constant 1 : i32
        %add3A_136 = vector.broadcast %add3A_135 : i32 to vector<16xi32>
        %add3A_137 = arith.addi %mul3A_134, %add3A_136 : vector<16xi32>
        %gather3A_138 = tpu.vector_load_idx %arg6[%add3A_137] : memref<3072xf32, #tpu.memory_space<vmem>>[vector<16xi32>], vector<16xf32>,
        %broadcast_in_dim3A_139 = arith.constant 1 : i32
        %broadcast_in_dim3A_140 = vector.broadcast %broadcast_in_dim3A_139 : i32 to vector<16xi32>
        %mul3A_141 = arith.constant 16 : i32
        %mul3A_142 = arith.muli %mul3A_64, %mul3A_141 : i32
        %add3A_143 = vector.broadcast %mul3A_142 : i32 to vector<16xi32>
        %add3A_144 = arith.addi %add3A_143, %iota3A : vector<16xi32>
        tpu.vector_store_idx %arg7[%add3A_144, %broadcast_in_dim3A_140], %gather3A_138 : memref<512x16xf32, #tpu.memory_space<vmem>>[vector<16xi32>, vector<16xi32>], vector<16xf32>,
        %mul3A_145 = arith.constant 3 : i32
        %mul3A_146 = vector.broadcast %mul3A_145 : i32 to vector<16xi32>
        %mul3A_147 = arith.muli %select_n3A_119, %mul3A_146 : vector<16xi32>
        %add3A_148 = arith.constant 2 : i32
        %add3A_149 = vector.broadcast %add3A_148 : i32 to vector<16xi32>
        %add3A_150 = arith.addi %mul3A_147, %add3A_149 : vector<16xi32>
        %gather3A_151 = tpu.vector_load_idx %arg6[%add3A_150] : memref<3072xf32, #tpu.memory_space<vmem>>[vector<16xi32>], vector<16xf32>,
        %broadcast_in_dim3A_152 = arith.constant 2 : i32
        %broadcast_in_dim3A_153 = vector.broadcast %broadcast_in_dim3A_152 : i32 to vector<16xi32>
        %mul3A_154 = arith.constant 16 : i32
        %mul3A_155 = arith.muli %mul3A_64, %mul3A_154 : i32
        %add3A_156 = vector.broadcast %mul3A_155 : i32 to vector<16xi32>
        %add3A_157 = arith.addi %add3A_156, %iota3A : vector<16xi32>
        tpu.vector_store_idx %arg7[%add3A_157, %broadcast_in_dim3A_153], %gather3A_151 : memref<512x16xf32, #tpu.memory_space<vmem>>[vector<16xi32>, vector<16xi32>], vector<16xf32>,
        %min3A_158 = arith.constant 16 : i32
        %min3A_159 = arith.minsi %while3A_105#2, %min3A_158 : i32
        %lt3A_160 = vector.broadcast %min3A_159 : i32 to vector<16xi32>
        %lt3A_161 = arith.cmpi slt, %iota3A, %lt3A_160 : vector<16xi32>
        %gather3A_162 = tpu.vector_load_idx %arg9[%iota3A] : memref<32xi32, #tpu.memory_space<vmem>>[vector<16xi32>], vector<16xi32>,
        %sub3A_163 = vector.broadcast %min3A_159 : i32 to vector<16xi32>
        %sub3A_164 = arith.subi %iota3A, %sub3A_163 : vector<16xi32>
        %max3A_165 = arith.constant 0 : i32
        %max3A_166 = vector.broadcast %max3A_165 : i32 to vector<16xi32>
        %max3A_167 = arith.maxsi %sub3A_164, %max3A_166 : vector<16xi32>
        %gather3A_168 = tpu.vector_load_idx %arg12[%max3A_167] : memref<32xi32, #tpu.memory_space<vmem>>[vector<16xi32>], vector<16xi32>,
        %select_n3A_169 = arith.select %lt3A_161, %gather3A_162, %gather3A_168 : vector<16xi1>, vector<16xi32>
        %mul3A_170 = arith.constant 3 : i32
        %mul3A_171 = vector.broadcast %mul3A_170 : i32 to vector<16xi32>
        %mul3A_172 = arith.muli %select_n3A_169, %mul3A_171 : vector<16xi32>
        %add3A_173 = arith.constant 0 : i32
        %add3A_174 = vector.broadcast %add3A_173 : i32 to vector<16xi32>
        %add3A_175 = arith.addi %mul3A_172, %add3A_174 : vector<16xi32>
        %gather3A_176 = tpu.vector_load_idx %arg6[%add3A_175] : memref<3072xf32, #tpu.memory_space<vmem>>[vector<16xi32>], vector<16xf32>,
        %broadcast_in_dim3A_177 = arith.constant 3 : i32
        %broadcast_in_dim3A_178 = vector.broadcast %broadcast_in_dim3A_177 : i32 to vector<16xi32>
        %mul3A_179 = arith.constant 16 : i32
        %mul3A_180 = arith.muli %mul3A_64, %mul3A_179 : i32
        %add3A_181 = vector.broadcast %mul3A_180 : i32 to vector<16xi32>
        %add3A_182 = arith.addi %add3A_181, %iota3A : vector<16xi32>
        tpu.vector_store_idx %arg7[%add3A_182, %broadcast_in_dim3A_178], %gather3A_176 : memref<512x16xf32, #tpu.memory_space<vmem>>[vector<16xi32>, vector<16xi32>], vector<16xf32>,
        %mul3A_183 = arith.constant 3 : i32
        %mul3A_184 = vector.broadcast %mul3A_183 : i32 to vector<16xi32>
        %mul3A_185 = arith.muli %select_n3A_169, %mul3A_184 : vector<16xi32>
        %add3A_186 = arith.constant 1 : i32
        %add3A_187 = vector.broadcast %add3A_186 : i32 to vector<16xi32>
        %add3A_188 = arith.addi %mul3A_185, %add3A_187 : vector<16xi32>
        %gather3A_189 = tpu.vector_load_idx %arg6[%add3A_188] : memref<3072xf32, #tpu.memory_space<vmem>>[vector<16xi32>], vector<16xf32>,
        %broadcast_in_dim3A_190 = arith.constant 4 : i32
        %broadcast_in_dim3A_191 = vector.broadcast %broadcast_in_dim3A_190 : i32 to vector<16xi32>
        %mul3A_192 = arith.constant 16 : i32
        %mul3A_193 = arith.muli %mul3A_64, %mul3A_192 : i32
        %add3A_194 = vector.broadcast %mul3A_193 : i32 to vector<16xi32>
        %add3A_195 = arith.addi %add3A_194, %iota3A : vector<16xi32>
        tpu.vector_store_idx %arg7[%add3A_195, %broadcast_in_dim3A_191], %gather3A_189 : memref<512x16xf32, #tpu.memory_space<vmem>>[vector<16xi32>, vector<16xi32>], vector<16xf32>,
        %mul3A_196 = arith.constant 3 : i32
        %mul3A_197 = vector.broadcast %mul3A_196 : i32 to vector<16xi32>
        %mul3A_198 = arith.muli %select_n3A_169, %mul3A_197 : vector<16xi32>
        %add3A_199 = arith.constant 2 : i32
        %add3A_200 = vector.broadcast %add3A_199 : i32 to vector<16xi32>
        %add3A_201 = arith.addi %mul3A_198, %add3A_200 : vector<16xi32>
        %gather3A_202 = tpu.vector_load_idx %arg6[%add3A_201] : memref<3072xf32, #tpu.memory_space<vmem>>[vector<16xi32>], vector<16xf32>,
        %broadcast_in_dim3A_203 = arith.constant 5 : i32
        %broadcast_in_dim3A_204 = vector.broadcast %broadcast_in_dim3A_203 : i32 to vector<16xi32>
        %mul3A_205 = arith.constant 16 : i32
        %mul3A_206 = arith.muli %mul3A_64, %mul3A_205 : i32
        %add3A_207 = vector.broadcast %mul3A_206 : i32 to vector<16xi32>
        %add3A_208 = arith.addi %add3A_207, %iota3A : vector<16xi32>
        tpu.vector_store_idx %arg7[%add3A_208, %broadcast_in_dim3A_204], %gather3A_202 : memref<512x16xf32, #tpu.memory_space<vmem>>[vector<16xi32>, vector<16xi32>], vector<16xf32>,
        %min3A_209 = arith.constant 16 : i32
        %min3A_210 = arith.minsi %scan3A_73#0, %min3A_209 : i32
        %lt3A_211 = vector.broadcast %min3A_210 : i32 to vector<16xi32>
        %lt3A_212 = arith.cmpi slt, %iota3A, %lt3A_211 : vector<16xi32>
        %gather3A_213 = tpu.vector_load_idx %arg14[%iota3A] : memref<1040xi32, #tpu.memory_space<vmem>>[vector<16xi32>], vector<16xi32>,
        %sub3A_214 = vector.broadcast %min3A_210 : i32 to vector<16xi32>
        %sub3A_215 = arith.subi %iota3A, %sub3A_214 : vector<16xi32>
        %max3A_216 = arith.constant 0 : i32
        %max3A_217 = vector.broadcast %max3A_216 : i32 to vector<16xi32>
        %max3A_218 = arith.maxsi %sub3A_215, %max3A_217 : vector<16xi32>
        %gather3A_219 = tpu.vector_load_idx %arg13[%max3A_218] : memref<32xi32, #tpu.memory_space<vmem>>[vector<16xi32>], vector<16xi32>,
        %select_n3A_220 = arith.select %lt3A_212, %gather3A_213, %gather3A_219 : vector<16xi1>, vector<16xi32>
        %mul3A_221 = arith.constant 3 : i32
        %mul3A_222 = vector.broadcast %mul3A_221 : i32 to vector<16xi32>
        %mul3A_223 = arith.muli %select_n3A_220, %mul3A_222 : vector<16xi32>
        %add3A_224 = arith.constant 0 : i32
        %add3A_225 = vector.broadcast %add3A_224 : i32 to vector<16xi32>
        %add3A_226 = arith.addi %mul3A_223, %add3A_225 : vector<16xi32>
        %gather3A_227 = tpu.vector_load_idx %arg6[%add3A_226] : memref<3072xf32, #tpu.memory_space<vmem>>[vector<16xi32>], vector<16xf32>,
        %broadcast_in_dim3A_228 = arith.constant 6 : i32
        %broadcast_in_dim3A_229 = vector.broadcast %broadcast_in_dim3A_228 : i32 to vector<16xi32>
        %mul3A_230 = arith.constant 16 : i32
        %mul3A_231 = arith.muli %mul3A_64, %mul3A_230 : i32
        %add3A_232 = vector.broadcast %mul3A_231 : i32 to vector<16xi32>
        %add3A_233 = arith.addi %add3A_232, %iota3A : vector<16xi32>
        tpu.vector_store_idx %arg7[%add3A_233, %broadcast_in_dim3A_229], %gather3A_227 : memref<512x16xf32, #tpu.memory_space<vmem>>[vector<16xi32>, vector<16xi32>], vector<16xf32>,
        %mul3A_234 = arith.constant 3 : i32
        %mul3A_235 = vector.broadcast %mul3A_234 : i32 to vector<16xi32>
        %mul3A_236 = arith.muli %select_n3A_220, %mul3A_235 : vector<16xi32>
        %add3A_237 = arith.constant 1 : i32
        %add3A_238 = vector.broadcast %add3A_237 : i32 to vector<16xi32>
        %add3A_239 = arith.addi %mul3A_236, %add3A_238 : vector<16xi32>
        %gather3A_240 = tpu.vector_load_idx %arg6[%add3A_239] : memref<3072xf32, #tpu.memory_space<vmem>>[vector<16xi32>], vector<16xf32>,
        %broadcast_in_dim3A_241 = arith.constant 7 : i32
        %broadcast_in_dim3A_242 = vector.broadcast %broadcast_in_dim3A_241 : i32 to vector<16xi32>
        %mul3A_243 = arith.constant 16 : i32
        %mul3A_244 = arith.muli %mul3A_64, %mul3A_243 : i32
        %add3A_245 = vector.broadcast %mul3A_244 : i32 to vector<16xi32>
        %add3A_246 = arith.addi %add3A_245, %iota3A : vector<16xi32>
        tpu.vector_store_idx %arg7[%add3A_246, %broadcast_in_dim3A_242], %gather3A_240 : memref<512x16xf32, #tpu.memory_space<vmem>>[vector<16xi32>, vector<16xi32>], vector<16xf32>,
        %mul3A_247 = arith.constant 3 : i32
        %mul3A_248 = vector.broadcast %mul3A_247 : i32 to vector<16xi32>
        %mul3A_249 = arith.muli %select_n3A_220, %mul3A_248 : vector<16xi32>
        %add3A_250 = arith.constant 2 : i32
        %add3A_251 = vector.broadcast %add3A_250 : i32 to vector<16xi32>
        %add3A_252 = arith.addi %mul3A_249, %add3A_251 : vector<16xi32>
        %gather3A_253 = tpu.vector_load_idx %arg6[%add3A_252] : memref<3072xf32, #tpu.memory_space<vmem>>[vector<16xi32>], vector<16xf32>,
        %broadcast_in_dim3A_254 = arith.constant 8 : i32
        %broadcast_in_dim3A_255 = vector.broadcast %broadcast_in_dim3A_254 : i32 to vector<16xi32>
        %mul3A_256 = arith.constant 16 : i32
        %mul3A_257 = arith.muli %mul3A_64, %mul3A_256 : i32
        %add3A_258 = vector.broadcast %mul3A_257 : i32 to vector<16xi32>
        %add3A_259 = arith.addi %add3A_258, %iota3A : vector<16xi32>
        tpu.vector_store_idx %arg7[%add3A_259, %broadcast_in_dim3A_255], %gather3A_253 : memref<512x16xf32, #tpu.memory_space<vmem>>[vector<16xi32>, vector<16xi32>], vector<16xf32>,
        %add3A_260 = arith.constant 16 : i32
        %add3A_261 = arith.addi %scan3A_73#1, %add3A_260 : i32
        %sub3A_262 = arith.constant 1 : i32
        %sub3A_263 = arith.subi %add3A_261, %sub3A_262 : i32
        %jit3A_264 = arith.constant 16 : i32
        %div3A_265 = arith.divsi %sub3A_263, %jit3A_264 : i32
        %sign3A_266 = arith.constant 0 : i32
        %sign3A_267 = arith.cmpi sgt, %sub3A_263, %sign3A_266 : i32
        %sign3A_268 = arith.extui %sign3A_267 : i1 to i32
        %sign3A_269 = arith.constant 0 : i32
        %sign3A_270 = arith.cmpi slt, %sub3A_263, %sign3A_269 : i32
        %sign3A_271 = arith.extui %sign3A_270 : i1 to i32
        %sign3A_272 = arith.subi %sign3A_268, %sign3A_271 : i32
        %sign3A_273 = arith.constant 0 : i32
        %sign3A_274 = arith.cmpi sgt, %jit3A_264, %sign3A_273 : i32
        %sign3A_275 = arith.extui %sign3A_274 : i1 to i32
        %sign3A_276 = arith.constant 0 : i32
        %sign3A_277 = arith.cmpi slt, %jit3A_264, %sign3A_276 : i32
        %sign3A_278 = arith.extui %sign3A_277 : i1 to i32
        %sign3A_279 = arith.subi %sign3A_275, %sign3A_278 : i32
        %ne3A_280 = arith.cmpi ne, %sign3A_272, %sign3A_279 : i32
        %rem3A_281 = arith.remsi %sub3A_263, %jit3A_264 : i32
        %ne3A_282 = arith.constant 0 : i32
        %ne3A_283 = arith.cmpi ne, %rem3A_281, %ne3A_282 : i32
        %and3A_284 = arith.andi %ne3A_280, %ne3A_283 : i1
        %sub3A_285 = arith.constant 1 : i32
        %sub3A_286 = arith.subi %div3A_265, %sub3A_285 : i32
        %select_n3A_287 = arith.select %and3A_284, %sub3A_286, %div3A_265 : i32
        %while3A_288 = arith.constant 0 : i32
        %while3A_289 = arith.constant 0 : i32
        %while3A_290 = arith.constant 0 : i32
        %while3A_291:3 = scf.while (%while3A_451 = %while3A_288, %while3A_452 = %while3A_289, %while3A_453 = %while3A_290) : (i32, i32, i32) -> (i32, i32, i32) {
          %lt3A_454 = arith.cmpi slt, %while3A_451, %select_n3A_287 : i32
          %lt3A_455 = arith.constant 16 : i32
          %lt3A_456 = arith.cmpi slt, %while3A_452, %lt3A_455 : i32
          %lt3A_457 = arith.constant 16 : i32
          %lt3A_458 = arith.cmpi slt, %while3A_453, %lt3A_457 : i32
          %or3A = arith.ori %lt3A_456, %lt3A_458 : i1
          %and3A_459 = arith.andi %lt3A_454, %or3A : i1
          scf.condition(%and3A_459) %while3A_451, %while3A_452, %while3A_453 : i32, i32, i32
        } do {
        ^bb0(%while3A_451: i32, %while3A_452: i32, %while3A_453: i32):
          %mul3A_454 = arith.constant 16 : i32
          %mul3A_455 = arith.muli %while3A_451, %mul3A_454 : i32
          %get3A = arith.index_cast %mul3A_455 : i32 to index
          %get3A_456 = tpu.vector_load %arg15[%get3A] {strides = array<i32>} : memref<1040xi32, #tpu.memory_space<vmem>>, vector<16xi32>,
          %mul3A_457 = arith.constant 16 : i32
          %mul3A_458 = arith.muli %while3A_451, %mul3A_457 : i32
          %add3A_459 = vector.broadcast %mul3A_458 : i32 to vector<16xi32>
          %add3A_460 = arith.addi %add3A_459, %iota3A : vector<16xi32>
          %lt3A_461 = vector.broadcast %scan3A_73#1 : i32 to vector<16xi32>
          %lt3A_462 = arith.cmpi slt, %add3A_460, %lt3A_461 : vector<16xi32>
          %mul3A_463 = arith.constant 0 : i32
          %mul3A_464 = vector.broadcast %mul3A_463 : i32 to vector<16xi32>
          %mul3A_465 = arith.muli %iota3A, %mul3A_464 : vector<16xi32>
          %select_n3A_466 = arith.select %lt3A_462, %get3A_456, %mul3A_465 : vector<16xi1>, vector<16xi32>
          %mul3A_467 = arith.constant 0 : i32
          %mul3A_468 = vector.broadcast %mul3A_467 : i32 to vector<16xi32>
          %mul3A_469 = arith.muli %iota3A, %mul3A_468 : vector<16xi32>
          %add3A_470 = vector.broadcast %add3A_66 : i32 to vector<16xi32>
          %add3A_471 = arith.addi %mul3A_469, %add3A_470 : vector<16xi32>
          %gather3A_472 = tpu.vector_load_idx %arg5[%add3A_471, %select_n3A_466] : memref<32x1024xf32, #tpu.memory_space<vmem>>[vector<16xi32>, vector<16xi32>], vector<16xf32>,
          %le3A = arith.constant 1.000000e-01 : f32
          %le3A_473 = vector.broadcast %le3A : f32 to vector<16xf32>
          %le3A_474 = arith.cmpf ole, %gather3A_472, %le3A_473 : vector<16xf32>
          %and3A_475 = arith.andi %le3A_474, %lt3A_462 : vector<16xi1>
          %le3A_476 = arith.constant 3.000000e-01 : f32
          %le3A_477 = vector.broadcast %le3A_476 : f32 to vector<16xf32>
          %le3A_478 = arith.cmpf ole, %gather3A_472, %le3A_477 : vector<16xf32>
          %and3A_479 = arith.andi %le3A_478, %lt3A_462 : vector<16xi1>
          %all_reduce_population_count3A = tpu.all_reduce %and3A_475 {dim = 0 : i64, kind = #tpu.reduction_kind<sum>} : vector<16xi1> -> vector<16xi32>
          %slice3A = vector.extract_strided_slice %all_reduce_population_count3A {offsets = [0], sizes = [1], strides = [1]} : vector<16xi32> to vector<1xi32>
          %squeeze3A = vector.extract %slice3A[0] : i32 from vector<1xi32>
          %all_reduce_population_count3A_480 = tpu.all_reduce %and3A_479 {dim = 0 : i64, kind = #tpu.reduction_kind<sum>} : vector<16xi1> -> vector<16xi32>
          %slice3A_481 = vector.extract_strided_slice %all_reduce_population_count3A_480 {offsets = [0], sizes = [1], strides = [1]} : vector<16xi32> to vector<1xi32>
          %squeeze3A_482 = vector.extract %slice3A_481[0] : i32 from vector<1xi32>
          %lt3A_483 = arith.constant 16 : i32
          %lt3A_484 = arith.cmpi slt, %while3A_452, %lt3A_483 : i32
          %convert_element_type3A = arith.extui %lt3A_484 : i1 to i32
          %cond3A = arith.constant 0 : i32
          %cond3A_485 = arith.cmpi ne, %convert_element_type3A, %cond3A : i32
          scf.if %cond3A_485 {
            %swap3A = arith.index_cast %while3A_452 : i32 to index
            %swap3A_495 = tpu.vector_load %arg8[%swap3A] masked %and3A_475 {strides = array<i32>} : memref<32xi32, #tpu.memory_space<vmem>>, vector<16xi32>, vector<16xi1>
            tpu.vector_store %arg8[%swap3A], %select_n3A_466 masked %and3A_475 {strides = array<i32>} : memref<32xi32, #tpu.memory_space<vmem>>, vector<16xi32>, vector<16xi1>
          } else {
          }
          %lt3A_486 = arith.constant 16 : i32
          %lt3A_487 = arith.cmpi slt, %while3A_453, %lt3A_486 : i32
          %convert_element_type3A_488 = arith.extui %lt3A_487 : i1 to i32
          %cond3A_489 = arith.constant 0 : i32
          %cond3A_490 = arith.cmpi ne, %convert_element_type3A_488, %cond3A_489 : i32
          scf.if %cond3A_490 {
            %swap3A = arith.index_cast %while3A_453 : i32 to index
            %swap3A_495 = tpu.vector_load %arg9[%swap3A] masked %and3A_479 {strides = array<i32>} : memref<32xi32, #tpu.memory_space<vmem>>, vector<16xi32>, vector<16xi1>
            tpu.vector_store %arg9[%swap3A], %select_n3A_466 masked %and3A_479 {strides = array<i32>} : memref<32xi32, #tpu.memory_space<vmem>>, vector<16xi32>, vector<16xi1>
          } else {
          }
          %add3A_491 = arith.constant 1 : i32
          %add3A_492 = arith.addi %while3A_451, %add3A_491 : i32
          %add3A_493 = arith.addi %while3A_452, %squeeze3A : i32
          %add3A_494 = arith.addi %while3A_453, %squeeze3A_482 : i32
          scf.yield %add3A_492, %add3A_493, %add3A_494 : i32, i32, i32
        }
        %while3A_292 = arith.constant 0 : i32
        %while3A_293 = arith.constant 0 : i32
        %while3A_294 = arith.constant 0 : i32
        %while3A_295 = arith.constant 0 : i32
        %while3A_296:4 = scf.while (%while3A_451 = %while3A_292, %while3A_452 = %while3A_293, %while3A_453 = %while3A_294, %while3A_454 = %while3A_295) : (i32, i32, i32, i32) -> (i32, i32, i32, i32) {
          %lt3A_455 = arith.constant 64 : i32
          %lt3A_456 = arith.cmpi slt, %while3A_451, %lt3A_455 : i32
          %lt3A_457 = arith.constant 16 : i32
          %lt3A_458 = arith.cmpi slt, %while3A_452, %lt3A_457 : i32
          %lt3A_459 = arith.constant 16 : i32
          %lt3A_460 = arith.cmpi slt, %while3A_453, %lt3A_459 : i32
          %or3A = arith.ori %lt3A_458, %lt3A_460 : i1
          %lt3A_461 = arith.constant 16 : i32
          %lt3A_462 = arith.cmpi slt, %while3A_454, %lt3A_461 : i32
          %or3A_463 = arith.ori %or3A, %lt3A_462 : i1
          %and3A_464 = arith.andi %lt3A_456, %or3A_463 : i1
          scf.condition(%and3A_464) %while3A_451, %while3A_452, %while3A_453, %while3A_454 : i32, i32, i32, i32
        } do {
        ^bb0(%while3A_451: i32, %while3A_452: i32, %while3A_453: i32, %while3A_454: i32):
          %mul3A_455 = arith.constant 16 : i32
          %mul3A_456 = arith.muli %while3A_451, %mul3A_455 : i32
          %get3A = arith.index_cast %add3A_66 : i32 to index
          %get3A_457 = arith.index_cast %mul3A_456 : i32 to index
          %get3A_458 = tpu.vector_load %arg5[%get3A, %get3A_457] {strides = array<i32>} : memref<32x1024xf32, #tpu.memory_space<vmem>>, vector<16xf32>,
          %le3A = arith.constant 1.000000e-01 : f32
          %le3A_459 = vector.broadcast %le3A : f32 to vector<16xf32>
          %le3A_460 = arith.cmpf ole, %get3A_458, %le3A_459 : vector<16xf32>
          %not3A = arith.constant dense<true> : vector<16xi1>
          %not3A_461 = arith.xori %le3A_460, %not3A : vector<16xi1>
          %all_reduce_population_count3A = tpu.all_reduce %not3A_461 {dim = 0 : i64, kind = #tpu.reduction_kind<sum>} : vector<16xi1> -> vector<16xi32>
          %slice3A = vector.extract_strided_slice %all_reduce_population_count3A {offsets = [0], sizes = [1], strides = [1]} : vector<16xi32> to vector<1xi32>
          %squeeze3A = vector.extract %slice3A[0] : i32 from vector<1xi32>
          %lt3A_462 = arith.constant 16 : i32
          %lt3A_463 = arith.cmpi slt, %while3A_452, %lt3A_462 : i32
          %convert_element_type3A = arith.extui %lt3A_463 : i1 to i32
          %cond3A = arith.constant 0 : i32
          %cond3A_464 = arith.cmpi ne, %convert_element_type3A, %cond3A : i32
          scf.if %cond3A_464 {
            %mul3A_496 = arith.constant 16 : i32
            %mul3A_497 = arith.muli %while3A_451, %mul3A_496 : i32
            %add3A_498 = vector.broadcast %mul3A_497 : i32 to vector<16xi32>
            %add3A_499 = arith.addi %iota3A, %add3A_498 : vector<16xi32>
            %swap3A = arith.index_cast %while3A_452 : i32 to index
            %swap3A_500 = tpu.vector_load %arg11[%swap3A] masked %not3A_461 {strides = array<i32>} : memref<32xi32, #tpu.memory_space<vmem>>, vector<16xi32>, vector<16xi1>
            tpu.vector_store %arg11[%swap3A], %add3A_499 masked %not3A_461 {strides = array<i32>} : memref<32xi32, #tpu.memory_space<vmem>>, vector<16xi32>, vector<16xi1>
          } else {
          }
          %add3A_465 = arith.addi %while3A_452, %squeeze3A : i32
          %le3A_466 = arith.constant 3.000000e-01 : f32
          %le3A_467 = vector.broadcast %le3A_466 : f32 to vector<16xf32>
          %le3A_468 = arith.cmpf ole, %get3A_458, %le3A_467 : vector<16xf32>
          %not3A_469 = arith.constant dense<true> : vector<16xi1>
          %not3A_470 = arith.xori %le3A_468, %not3A_469 : vector<16xi1>
          %all_reduce_population_count3A_471 = tpu.all_reduce %not3A_470 {dim = 0 : i64, kind = #tpu.reduction_kind<sum>} : vector<16xi1> -> vector<16xi32>
          %slice3A_472 = vector.extract_strided_slice %all_reduce_population_count3A_471 {offsets = [0], sizes = [1], strides = [1]} : vector<16xi32> to vector<1xi32>
          %squeeze3A_473 = vector.extract %slice3A_472[0] : i32 from vector<1xi32>
          %lt3A_474 = arith.constant 16 : i32
          %lt3A_475 = arith.cmpi slt, %while3A_453, %lt3A_474 : i32
          %convert_element_type3A_476 = arith.extui %lt3A_475 : i1 to i32
          %cond3A_477 = arith.constant 0 : i32
          %cond3A_478 = arith.cmpi ne, %convert_element_type3A_476, %cond3A_477 : i32
          scf.if %cond3A_478 {
            %mul3A_496 = arith.constant 16 : i32
            %mul3A_497 = arith.muli %while3A_451, %mul3A_496 : i32
            %add3A_498 = vector.broadcast %mul3A_497 : i32 to vector<16xi32>
            %add3A_499 = arith.addi %iota3A, %add3A_498 : vector<16xi32>
            %swap3A = arith.index_cast %while3A_453 : i32 to index
            %swap3A_500 = tpu.vector_load %arg12[%swap3A] masked %not3A_470 {strides = array<i32>} : memref<32xi32, #tpu.memory_space<vmem>>, vector<16xi32>, vector<16xi1>
            tpu.vector_store %arg12[%swap3A], %add3A_499 masked %not3A_470 {strides = array<i32>} : memref<32xi32, #tpu.memory_space<vmem>>, vector<16xi32>, vector<16xi1>
          } else {
          }
          %add3A_479 = arith.addi %while3A_453, %squeeze3A_473 : i32
          %le3A_480 = arith.constant 6.000000e-01 : f32
          %le3A_481 = vector.broadcast %le3A_480 : f32 to vector<16xf32>
          %le3A_482 = arith.cmpf ole, %get3A_458, %le3A_481 : vector<16xf32>
          %not3A_483 = arith.constant dense<true> : vector<16xi1>
          %not3A_484 = arith.xori %le3A_482, %not3A_483 : vector<16xi1>
          %all_reduce_population_count3A_485 = tpu.all_reduce %not3A_484 {dim = 0 : i64, kind = #tpu.reduction_kind<sum>} : vector<16xi1> -> vector<16xi32>
          %slice3A_486 = vector.extract_strided_slice %all_reduce_population_count3A_485 {offsets = [0], sizes = [1], strides = [1]} : vector<16xi32> to vector<1xi32>
          %squeeze3A_487 = vector.extract %slice3A_486[0] : i32 from vector<1xi32>
          %lt3A_488 = arith.constant 16 : i32
          %lt3A_489 = arith.cmpi slt, %while3A_454, %lt3A_488 : i32
          %convert_element_type3A_490 = arith.extui %lt3A_489 : i1 to i32
          %cond3A_491 = arith.constant 0 : i32
          %cond3A_492 = arith.cmpi ne, %convert_element_type3A_490, %cond3A_491 : i32
          scf.if %cond3A_492 {
            %mul3A_496 = arith.constant 16 : i32
            %mul3A_497 = arith.muli %while3A_451, %mul3A_496 : i32
            %add3A_498 = vector.broadcast %mul3A_497 : i32 to vector<16xi32>
            %add3A_499 = arith.addi %iota3A, %add3A_498 : vector<16xi32>
            %swap3A = arith.index_cast %while3A_454 : i32 to index
            %swap3A_500 = tpu.vector_load %arg13[%swap3A] masked %not3A_484 {strides = array<i32>} : memref<32xi32, #tpu.memory_space<vmem>>, vector<16xi32>, vector<16xi1>
            tpu.vector_store %arg13[%swap3A], %add3A_499 masked %not3A_484 {strides = array<i32>} : memref<32xi32, #tpu.memory_space<vmem>>, vector<16xi32>, vector<16xi1>
          } else {
          }
          %add3A_493 = arith.addi %while3A_454, %squeeze3A_487 : i32
          %add3A_494 = arith.constant 1 : i32
          %add3A_495 = arith.addi %while3A_451, %add3A_494 : i32
          scf.yield %add3A_495, %add3A_465, %add3A_479, %add3A_493 : i32, i32, i32, i32
        }
        %min3A_297 = arith.constant 16 : i32
        %min3A_298 = arith.minsi %while3A_291#1, %min3A_297 : i32
        %lt3A_299 = vector.broadcast %min3A_298 : i32 to vector<16xi32>
        %lt3A_300 = arith.cmpi slt, %iota3A, %lt3A_299 : vector<16xi32>
        %gather3A_301 = tpu.vector_load_idx %arg8[%iota3A] : memref<32xi32, #tpu.memory_space<vmem>>[vector<16xi32>], vector<16xi32>,
        %sub3A_302 = vector.broadcast %min3A_298 : i32 to vector<16xi32>
        %sub3A_303 = arith.subi %iota3A, %sub3A_302 : vector<16xi32>
        %max3A_304 = arith.constant 0 : i32
        %max3A_305 = vector.broadcast %max3A_304 : i32 to vector<16xi32>
        %max3A_306 = arith.maxsi %sub3A_303, %max3A_305 : vector<16xi32>
        %gather3A_307 = tpu.vector_load_idx %arg11[%max3A_306] : memref<32xi32, #tpu.memory_space<vmem>>[vector<16xi32>], vector<16xi32>,
        %select_n3A_308 = arith.select %lt3A_300, %gather3A_301, %gather3A_307 : vector<16xi1>, vector<16xi32>
        %mul3A_309 = arith.constant 3 : i32
        %mul3A_310 = vector.broadcast %mul3A_309 : i32 to vector<16xi32>
        %mul3A_311 = arith.muli %select_n3A_308, %mul3A_310 : vector<16xi32>
        %add3A_312 = arith.constant 0 : i32
        %add3A_313 = vector.broadcast %add3A_312 : i32 to vector<16xi32>
        %add3A_314 = arith.addi %mul3A_311, %add3A_313 : vector<16xi32>
        %gather3A_315 = tpu.vector_load_idx %arg6[%add3A_314] : memref<3072xf32, #tpu.memory_space<vmem>>[vector<16xi32>], vector<16xf32>,
        %broadcast_in_dim3A_316 = arith.constant 0 : i32
        %broadcast_in_dim3A_317 = vector.broadcast %broadcast_in_dim3A_316 : i32 to vector<16xi32>
        %mul3A_318 = arith.constant 16 : i32
        %mul3A_319 = arith.muli %add3A_66, %mul3A_318 : i32
        %add3A_320 = vector.broadcast %mul3A_319 : i32 to vector<16xi32>
        %add3A_321 = arith.addi %add3A_320, %iota3A : vector<16xi32>
        tpu.vector_store_idx %arg7[%add3A_321, %broadcast_in_dim3A_317], %gather3A_315 : memref<512x16xf32, #tpu.memory_space<vmem>>[vector<16xi32>, vector<16xi32>], vector<16xf32>,
        %mul3A_322 = arith.constant 3 : i32
        %mul3A_323 = vector.broadcast %mul3A_322 : i32 to vector<16xi32>
        %mul3A_324 = arith.muli %select_n3A_308, %mul3A_323 : vector<16xi32>
        %add3A_325 = arith.constant 1 : i32
        %add3A_326 = vector.broadcast %add3A_325 : i32 to vector<16xi32>
        %add3A_327 = arith.addi %mul3A_324, %add3A_326 : vector<16xi32>
        %gather3A_328 = tpu.vector_load_idx %arg6[%add3A_327] : memref<3072xf32, #tpu.memory_space<vmem>>[vector<16xi32>], vector<16xf32>,
        %broadcast_in_dim3A_329 = arith.constant 1 : i32
        %broadcast_in_dim3A_330 = vector.broadcast %broadcast_in_dim3A_329 : i32 to vector<16xi32>
        %mul3A_331 = arith.constant 16 : i32
        %mul3A_332 = arith.muli %add3A_66, %mul3A_331 : i32
        %add3A_333 = vector.broadcast %mul3A_332 : i32 to vector<16xi32>
        %add3A_334 = arith.addi %add3A_333, %iota3A : vector<16xi32>
        tpu.vector_store_idx %arg7[%add3A_334, %broadcast_in_dim3A_330], %gather3A_328 : memref<512x16xf32, #tpu.memory_space<vmem>>[vector<16xi32>, vector<16xi32>], vector<16xf32>,
        %mul3A_335 = arith.constant 3 : i32
        %mul3A_336 = vector.broadcast %mul3A_335 : i32 to vector<16xi32>
        %mul3A_337 = arith.muli %select_n3A_308, %mul3A_336 : vector<16xi32>
        %add3A_338 = arith.constant 2 : i32
        %add3A_339 = vector.broadcast %add3A_338 : i32 to vector<16xi32>
        %add3A_340 = arith.addi %mul3A_337, %add3A_339 : vector<16xi32>
        %gather3A_341 = tpu.vector_load_idx %arg6[%add3A_340] : memref<3072xf32, #tpu.memory_space<vmem>>[vector<16xi32>], vector<16xf32>,
        %broadcast_in_dim3A_342 = arith.constant 2 : i32
        %broadcast_in_dim3A_343 = vector.broadcast %broadcast_in_dim3A_342 : i32 to vector<16xi32>
        %mul3A_344 = arith.constant 16 : i32
        %mul3A_345 = arith.muli %add3A_66, %mul3A_344 : i32
        %add3A_346 = vector.broadcast %mul3A_345 : i32 to vector<16xi32>
        %add3A_347 = arith.addi %add3A_346, %iota3A : vector<16xi32>
        tpu.vector_store_idx %arg7[%add3A_347, %broadcast_in_dim3A_343], %gather3A_341 : memref<512x16xf32, #tpu.memory_space<vmem>>[vector<16xi32>, vector<16xi32>], vector<16xf32>,
        %min3A_348 = arith.constant 16 : i32
        %min3A_349 = arith.minsi %while3A_291#2, %min3A_348 : i32
        %lt3A_350 = vector.broadcast %min3A_349 : i32 to vector<16xi32>
        %lt3A_351 = arith.cmpi slt, %iota3A, %lt3A_350 : vector<16xi32>
        %gather3A_352 = tpu.vector_load_idx %arg9[%iota3A] : memref<32xi32, #tpu.memory_space<vmem>>[vector<16xi32>], vector<16xi32>,
        %sub3A_353 = vector.broadcast %min3A_349 : i32 to vector<16xi32>
        %sub3A_354 = arith.subi %iota3A, %sub3A_353 : vector<16xi32>
        %max3A_355 = arith.constant 0 : i32
        %max3A_356 = vector.broadcast %max3A_355 : i32 to vector<16xi32>
        %max3A_357 = arith.maxsi %sub3A_354, %max3A_356 : vector<16xi32>
        %gather3A_358 = tpu.vector_load_idx %arg12[%max3A_357] : memref<32xi32, #tpu.memory_space<vmem>>[vector<16xi32>], vector<16xi32>,
        %select_n3A_359 = arith.select %lt3A_351, %gather3A_352, %gather3A_358 : vector<16xi1>, vector<16xi32>
        %mul3A_360 = arith.constant 3 : i32
        %mul3A_361 = vector.broadcast %mul3A_360 : i32 to vector<16xi32>
        %mul3A_362 = arith.muli %select_n3A_359, %mul3A_361 : vector<16xi32>
        %add3A_363 = arith.constant 0 : i32
        %add3A_364 = vector.broadcast %add3A_363 : i32 to vector<16xi32>
        %add3A_365 = arith.addi %mul3A_362, %add3A_364 : vector<16xi32>
        %gather3A_366 = tpu.vector_load_idx %arg6[%add3A_365] : memref<3072xf32, #tpu.memory_space<vmem>>[vector<16xi32>], vector<16xf32>,
        %broadcast_in_dim3A_367 = arith.constant 3 : i32
        %broadcast_in_dim3A_368 = vector.broadcast %broadcast_in_dim3A_367 : i32 to vector<16xi32>
        %mul3A_369 = arith.constant 16 : i32
        %mul3A_370 = arith.muli %add3A_66, %mul3A_369 : i32
        %add3A_371 = vector.broadcast %mul3A_370 : i32 to vector<16xi32>
        %add3A_372 = arith.addi %add3A_371, %iota3A : vector<16xi32>
        tpu.vector_store_idx %arg7[%add3A_372, %broadcast_in_dim3A_368], %gather3A_366 : memref<512x16xf32, #tpu.memory_space<vmem>>[vector<16xi32>, vector<16xi32>], vector<16xf32>,
        %mul3A_373 = arith.constant 3 : i32
        %mul3A_374 = vector.broadcast %mul3A_373 : i32 to vector<16xi32>
        %mul3A_375 = arith.muli %select_n3A_359, %mul3A_374 : vector<16xi32>
        %add3A_376 = arith.constant 1 : i32
        %add3A_377 = vector.broadcast %add3A_376 : i32 to vector<16xi32>
        %add3A_378 = arith.addi %mul3A_375, %add3A_377 : vector<16xi32>
        %gather3A_379 = tpu.vector_load_idx %arg6[%add3A_378] : memref<3072xf32, #tpu.memory_space<vmem>>[vector<16xi32>], vector<16xf32>,
        %broadcast_in_dim3A_380 = arith.constant 4 : i32
        %broadcast_in_dim3A_381 = vector.broadcast %broadcast_in_dim3A_380 : i32 to vector<16xi32>
        %mul3A_382 = arith.constant 16 : i32
        %mul3A_383 = arith.muli %add3A_66, %mul3A_382 : i32
        %add3A_384 = vector.broadcast %mul3A_383 : i32 to vector<16xi32>
        %add3A_385 = arith.addi %add3A_384, %iota3A : vector<16xi32>
        tpu.vector_store_idx %arg7[%add3A_385, %broadcast_in_dim3A_381], %gather3A_379 : memref<512x16xf32, #tpu.memory_space<vmem>>[vector<16xi32>, vector<16xi32>], vector<16xf32>,
        %mul3A_386 = arith.constant 3 : i32
        %mul3A_387 = vector.broadcast %mul3A_386 : i32 to vector<16xi32>
        %mul3A_388 = arith.muli %select_n3A_359, %mul3A_387 : vector<16xi32>
        %add3A_389 = arith.constant 2 : i32
        %add3A_390 = vector.broadcast %add3A_389 : i32 to vector<16xi32>
        %add3A_391 = arith.addi %mul3A_388, %add3A_390 : vector<16xi32>
        %gather3A_392 = tpu.vector_load_idx %arg6[%add3A_391] : memref<3072xf32, #tpu.memory_space<vmem>>[vector<16xi32>], vector<16xf32>,
        %broadcast_in_dim3A_393 = arith.constant 5 : i32
        %broadcast_in_dim3A_394 = vector.broadcast %broadcast_in_dim3A_393 : i32 to vector<16xi32>
        %mul3A_395 = arith.constant 16 : i32
        %mul3A_396 = arith.muli %add3A_66, %mul3A_395 : i32
        %add3A_397 = vector.broadcast %mul3A_396 : i32 to vector<16xi32>
        %add3A_398 = arith.addi %add3A_397, %iota3A : vector<16xi32>
        tpu.vector_store_idx %arg7[%add3A_398, %broadcast_in_dim3A_394], %gather3A_392 : memref<512x16xf32, #tpu.memory_space<vmem>>[vector<16xi32>, vector<16xi32>], vector<16xf32>,
        %min3A_399 = arith.constant 16 : i32
        %min3A_400 = arith.minsi %scan3A_73#1, %min3A_399 : i32
        %lt3A_401 = vector.broadcast %min3A_400 : i32 to vector<16xi32>
        %lt3A_402 = arith.cmpi slt, %iota3A, %lt3A_401 : vector<16xi32>
        %gather3A_403 = tpu.vector_load_idx %arg15[%iota3A] : memref<1040xi32, #tpu.memory_space<vmem>>[vector<16xi32>], vector<16xi32>,
        %sub3A_404 = vector.broadcast %min3A_400 : i32 to vector<16xi32>
        %sub3A_405 = arith.subi %iota3A, %sub3A_404 : vector<16xi32>
        %max3A_406 = arith.constant 0 : i32
        %max3A_407 = vector.broadcast %max3A_406 : i32 to vector<16xi32>
        %max3A_408 = arith.maxsi %sub3A_405, %max3A_407 : vector<16xi32>
        %gather3A_409 = tpu.vector_load_idx %arg13[%max3A_408] : memref<32xi32, #tpu.memory_space<vmem>>[vector<16xi32>], vector<16xi32>,
        %select_n3A_410 = arith.select %lt3A_402, %gather3A_403, %gather3A_409 : vector<16xi1>, vector<16xi32>
        %mul3A_411 = arith.constant 3 : i32
        %mul3A_412 = vector.broadcast %mul3A_411 : i32 to vector<16xi32>
        %mul3A_413 = arith.muli %select_n3A_410, %mul3A_412 : vector<16xi32>
        %add3A_414 = arith.constant 0 : i32
        %add3A_415 = vector.broadcast %add3A_414 : i32 to vector<16xi32>
        %add3A_416 = arith.addi %mul3A_413, %add3A_415 : vector<16xi32>
        %gather3A_417 = tpu.vector_load_idx %arg6[%add3A_416] : memref<3072xf32, #tpu.memory_space<vmem>>[vector<16xi32>], vector<16xf32>,
        %broadcast_in_dim3A_418 = arith.constant 6 : i32
        %broadcast_in_dim3A_419 = vector.broadcast %broadcast_in_dim3A_418 : i32 to vector<16xi32>
        %mul3A_420 = arith.constant 16 : i32
        %mul3A_421 = arith.muli %add3A_66, %mul3A_420 : i32
        %add3A_422 = vector.broadcast %mul3A_421 : i32 to vector<16xi32>
        %add3A_423 = arith.addi %add3A_422, %iota3A : vector<16xi32>
        tpu.vector_store_idx %arg7[%add3A_423, %broadcast_in_dim3A_419], %gather3A_417 : memref<512x16xf32, #tpu.memory_space<vmem>>[vector<16xi32>, vector<16xi32>], vector<16xf32>,
        %mul3A_424 = arith.constant 3 : i32
        %mul3A_425 = vector.broadcast %mul3A_424 : i32 to vector<16xi32>
        %mul3A_426 = arith.muli %select_n3A_410, %mul3A_425 : vector<16xi32>
        %add3A_427 = arith.constant 1 : i32
        %add3A_428 = vector.broadcast %add3A_427 : i32 to vector<16xi32>
        %add3A_429 = arith.addi %mul3A_426, %add3A_428 : vector<16xi32>
        %gather3A_430 = tpu.vector_load_idx %arg6[%add3A_429] : memref<3072xf32, #tpu.memory_space<vmem>>[vector<16xi32>], vector<16xf32>,
        %broadcast_in_dim3A_431 = arith.constant 7 : i32
        %broadcast_in_dim3A_432 = vector.broadcast %broadcast_in_dim3A_431 : i32 to vector<16xi32>
        %mul3A_433 = arith.constant 16 : i32
        %mul3A_434 = arith.muli %add3A_66, %mul3A_433 : i32
        %add3A_435 = vector.broadcast %mul3A_434 : i32 to vector<16xi32>
        %add3A_436 = arith.addi %add3A_435, %iota3A : vector<16xi32>
        tpu.vector_store_idx %arg7[%add3A_436, %broadcast_in_dim3A_432], %gather3A_430 : memref<512x16xf32, #tpu.memory_space<vmem>>[vector<16xi32>, vector<16xi32>], vector<16xf32>,
        %mul3A_437 = arith.constant 3 : i32
        %mul3A_438 = vector.broadcast %mul3A_437 : i32 to vector<16xi32>
        %mul3A_439 = arith.muli %select_n3A_410, %mul3A_438 : vector<16xi32>
        %add3A_440 = arith.constant 2 : i32
        %add3A_441 = vector.broadcast %add3A_440 : i32 to vector<16xi32>
        %add3A_442 = arith.addi %mul3A_439, %add3A_441 : vector<16xi32>
        %gather3A_443 = tpu.vector_load_idx %arg6[%add3A_442] : memref<3072xf32, #tpu.memory_space<vmem>>[vector<16xi32>], vector<16xf32>,
        %broadcast_in_dim3A_444 = arith.constant 8 : i32
        %broadcast_in_dim3A_445 = vector.broadcast %broadcast_in_dim3A_444 : i32 to vector<16xi32>
        %mul3A_446 = arith.constant 16 : i32
        %mul3A_447 = arith.muli %add3A_66, %mul3A_446 : i32
        %add3A_448 = vector.broadcast %mul3A_447 : i32 to vector<16xi32>
        %add3A_449 = arith.addi %add3A_448, %iota3A : vector<16xi32>
        tpu.vector_store_idx %arg7[%add3A_449, %broadcast_in_dim3A_445], %gather3A_443 : memref<512x16xf32, #tpu.memory_space<vmem>>[vector<16xi32>, vector<16xi32>], vector<16xf32>,
        %scan3A_450 = arith.constant 0 : i32
        scf.yield %scan3A_450 : i32
      }
      %scan3A_57 = arith.constant 16 : i32
      %mul3A_58 = arith.constant 16 : i32
      %mul3A_59 = arith.muli %add3A_50, %mul3A_58 : i32
      "tpu.region"() ({
        %run_scoped3A = tpu.sem_alloc : memref<!tpu.dma_semaphore, #tpu.memory_space<semaphore_mem>>
        %dma_start3A = arith.constant 0 : i32
        %dma_start3A_61 = tpu.memref_slice %arg4[%select_n3A, %mul3A_59, %dma_start3A] : memref<4x16384x16xf32, #tpu.memory_space<hbm>> -> memref<1x512x16xf32, #tpu.memory_space<hbm>>
        %dma_start3A_62 = tpu.memref_squeeze %dma_start3A_61 : memref<1x512x16xf32, #tpu.memory_space<hbm>> -> memref<512x16xf32, #tpu.memory_space<hbm>>
        %dma_start3A_63 = arith.constant 0 : i32
        %dma_start3A_64 = tpu.memref_slice %arg4[%select_n3A, %mul3A_59, %dma_start3A_63] : memref<4x16384x16xf32, #tpu.memory_space<hbm>> -> memref<1x512x16xf32, #tpu.memory_space<hbm>>
        %dma_start3A_65 = tpu.memref_squeeze %dma_start3A_64 : memref<1x512x16xf32, #tpu.memory_space<hbm>> -> memref<512x16xf32, #tpu.memory_space<hbm>>
        tpu.enqueue_dma source(%arg7 : memref<512x16xf32, #tpu.memory_space<vmem>>) target(%dma_start3A_65 : memref<512x16xf32, #tpu.memory_space<hbm>>) target_semaphore(%run_scoped3A : memref<!tpu.dma_semaphore, #tpu.memory_space<semaphore_mem>>)
        %dma_wait3A = arith.constant 0 : i32
        %dma_wait3A_66 = tpu.memref_slice %arg4[%select_n3A, %mul3A_59, %dma_wait3A] : memref<4x16384x16xf32, #tpu.memory_space<hbm>> -> memref<1x512x16xf32, #tpu.memory_space<hbm>>
        %dma_wait3A_67 = tpu.memref_squeeze %dma_wait3A_66 : memref<1x512x16xf32, #tpu.memory_space<hbm>> -> memref<512x16xf32, #tpu.memory_space<hbm>>
        %dma_wait3A_68 = arith.constant 0 : i32
        %dma_wait3A_69 = tpu.memref_slice %arg4[%select_n3A, %mul3A_59, %dma_wait3A_68] : memref<4x16384x16xf32, #tpu.memory_space<hbm>> -> memref<1x512x16xf32, #tpu.memory_space<hbm>>
        %dma_wait3A_70 = tpu.memref_squeeze %dma_wait3A_69 : memref<1x512x16xf32, #tpu.memory_space<hbm>> -> memref<512x16xf32, #tpu.memory_space<hbm>>
        tpu.wait_dma2 semaphore(%run_scoped3A : memref<!tpu.dma_semaphore, #tpu.memory_space<semaphore_mem>>) src(%arg7 : memref<512x16xf32, #tpu.memory_space<vmem>>) dst(%dma_wait3A_70 : memref<512x16xf32, #tpu.memory_space<hbm>>)
        tpu.yield
      }) : () -> ()
      %scan3A_60 = arith.constant 0 : i32
      scf.yield %scan3A_60 : i32
    }
    %scan3A_45 = arith.constant 4 : i32
    return
  }
}

module attributes {stable_mosaic.version = 14 : i64} {
  func.func @_tnet_body(%arg0: i32, %arg1: memref<1x1024x3xf32, #tpu.memory_space<vmem>>, %arg2: memref<3x128xf32, #tpu.memory_space<vmem>>, %arg3: memref<128xf32, #tpu.memory_space<vmem>>, %arg4: memref<128xf32, #tpu.memory_space<vmem>>, %arg5: memref<128xf32, #tpu.memory_space<vmem>>, %arg6: memref<128xf32, #tpu.memory_space<vmem>>, %arg7: memref<128xf32, #tpu.memory_space<vmem>>, %arg8: memref<128x128xf32, #tpu.memory_space<vmem>>, %arg9: memref<128xf32, #tpu.memory_space<vmem>>, %arg10: memref<128xf32, #tpu.memory_space<vmem>>, %arg11: memref<128xf32, #tpu.memory_space<vmem>>, %arg12: memref<128xf32, #tpu.memory_space<vmem>>, %arg13: memref<128xf32, #tpu.memory_space<vmem>>, %arg14: memref<128x9xf32, #tpu.memory_space<vmem>>, %arg15: memref<9xf32, #tpu.memory_space<vmem>>, %arg16: memref<1x1024x3xf32, #tpu.memory_space<vmem>>) attributes {dimension_semantics = [#tpu.dimension_semantics<arbitrary>], iteration_bounds = array<i64: 4>, scalar_prefetch = 0 : i64, scratch_operands = 0 : i64, tpu.core_type = #tpu.core_type<tc>, window_params = [{transform_indices = @transform_0, window_bounds = array<i64: 1, 1024, 3>}, {pipeline_mode = #tpu.pipeline_mode<synchronous>, transform_indices = @transform_1, window_bounds = array<i64: 3, 128>}, {pipeline_mode = #tpu.pipeline_mode<synchronous>, transform_indices = @transform_2, window_bounds = array<i64: 128>}, {pipeline_mode = #tpu.pipeline_mode<synchronous>, transform_indices = @transform_3, window_bounds = array<i64: 128>}, {pipeline_mode = #tpu.pipeline_mode<synchronous>, transform_indices = @transform_4, window_bounds = array<i64: 128>}, {pipeline_mode = #tpu.pipeline_mode<synchronous>, transform_indices = @transform_5, window_bounds = array<i64: 128>}, {pipeline_mode = #tpu.pipeline_mode<synchronous>, transform_indices = @transform_6, window_bounds = array<i64: 128>}, {pipeline_mode = #tpu.pipeline_mode<synchronous>, transform_indices = @transform_7, window_bounds = array<i64: 128, 128>}, {pipeline_mode = #tpu.pipeline_mode<synchronous>, transform_indices = @transform_8, window_bounds = array<i64: 128>}, {pipeline_mode = #tpu.pipeline_mode<synchronous>, transform_indices = @transform_9, window_bounds = array<i64: 128>}, {pipeline_mode = #tpu.pipeline_mode<synchronous>, transform_indices = @transform_10, window_bounds = array<i64: 128>}, {pipeline_mode = #tpu.pipeline_mode<synchronous>, transform_indices = @transform_11, window_bounds = array<i64: 128>}, {pipeline_mode = #tpu.pipeline_mode<synchronous>, transform_indices = @transform_12, window_bounds = array<i64: 128>}, {pipeline_mode = #tpu.pipeline_mode<synchronous>, transform_indices = @transform_13, window_bounds = array<i64: 128, 9>}, {pipeline_mode = #tpu.pipeline_mode<synchronous>, transform_indices = @transform_14, window_bounds = array<i64: 9>}, {transform_indices = @transform_15, window_bounds = array<i64: 1, 1024, 3>}]} {
    %get3A = arith.constant 0 : index
    %get3A_0 = arith.constant 0 : index
    %get3A_1 = arith.constant 0 : index
    %get3A_2 = vector.load %arg1[%get3A, %get3A_0, %get3A_1] : memref<1x1024x3xf32, #tpu.memory_space<vmem>>, vector<1x1024x3xf32>
    %get3A_3 = vector.shape_cast %get3A_2 : vector<1x1024x3xf32> to vector<1024x3xf32>
    %get3A_4 = arith.constant 0 : index
    %get3A_5 = arith.constant 0 : index
    %get3A_6 = vector.load %arg2[%get3A_4, %get3A_5] : memref<3x128xf32, #tpu.memory_space<vmem>>, vector<3x128xf32>
    %dot_general3A = arith.constant dense<0.000000e+00> : vector<1024x128xf32>
    %dot_general3A_7 = tpu.matmul %get3A_3, %get3A_6, %dot_general3A {dimension_numbers = #tpu.dot_dimension_numbers<[1], [0], [0], [1], [0, 0, 1, 1], [], []>, transpose_lhs_hint = false} : vector<1024x3xf32>, vector<3x128xf32>, vector<1024x128xf32> -> vector<1024x128xf32>
    %get3A_8 = arith.constant 0 : index
    %get3A_9 = vector.load %arg3[%get3A_8] : memref<128xf32, #tpu.memory_space<vmem>>, vector<128xf32>
    %broadcast_in_dim3A = vector.shape_cast %get3A_9 : vector<128xf32> to vector<1x128xf32>
    %add3A = vector.broadcast %broadcast_in_dim3A : vector<1x128xf32> to vector<1024x128xf32>
    %add3A_10 = arith.addf %dot_general3A_7, %add3A : vector<1024x128xf32>
    %get3A_11 = arith.constant 0 : index
    %get3A_12 = vector.load %arg4[%get3A_11] : memref<128xf32, #tpu.memory_space<vmem>>, vector<128xf32>
    %get3A_13 = arith.constant 0 : index
    %get3A_14 = vector.load %arg5[%get3A_13] : memref<128xf32, #tpu.memory_space<vmem>>, vector<128xf32>
    %get3A_15 = arith.constant 0 : index
    %get3A_16 = vector.load %arg6[%get3A_15] : memref<128xf32, #tpu.memory_space<vmem>>, vector<128xf32>
    %get3A_17 = arith.constant 0 : index
    %get3A_18 = vector.load %arg7[%get3A_17] : memref<128xf32, #tpu.memory_space<vmem>>, vector<128xf32>
    %broadcast_in_dim3A_19 = vector.shape_cast %get3A_16 : vector<128xf32> to vector<1x128xf32>
    %sub3A = vector.broadcast %broadcast_in_dim3A_19 : vector<1x128xf32> to vector<1024x128xf32>
    %sub3A_20 = arith.subf %add3A_10, %sub3A : vector<1024x128xf32>
    %broadcast_in_dim3A_21 = vector.shape_cast %get3A_12 : vector<128xf32> to vector<1x128xf32>
    %mul3A = vector.broadcast %broadcast_in_dim3A_21 : vector<1x128xf32> to vector<1024x128xf32>
    %mul3A_22 = arith.mulf %mul3A, %sub3A_20 : vector<1024x128xf32>
    %add3A_23 = arith.constant 1.000000e-03 : f32
    %add3A_24 = vector.broadcast %add3A_23 : f32 to vector<128xf32>
    %add3A_25 = arith.addf %get3A_18, %add3A_24 : vector<128xf32>
    %rsqrt3A = math.rsqrt %add3A_25 : vector<128xf32>
    %broadcast_in_dim3A_26 = vector.shape_cast %rsqrt3A : vector<128xf32> to vector<1x128xf32>
    %mul3A_27 = vector.broadcast %broadcast_in_dim3A_26 : vector<1x128xf32> to vector<1024x128xf32>
    %mul3A_28 = arith.mulf %mul3A_22, %mul3A_27 : vector<1024x128xf32>
    %broadcast_in_dim3A_29 = vector.shape_cast %get3A_14 : vector<128xf32> to vector<1x128xf32>
    %add3A_30 = vector.broadcast %broadcast_in_dim3A_29 : vector<1x128xf32> to vector<1024x128xf32>
    %add3A_31 = arith.addf %mul3A_28, %add3A_30 : vector<1024x128xf32>
    %logistic3A = arith.negf %add3A_31 : vector<1024x128xf32>
    %logistic3A_32 = math.exp %logistic3A : vector<1024x128xf32>
    %logistic3A_33 = arith.constant 1.000000e+00 : f32
    %logistic3A_34 = vector.broadcast %logistic3A_33 : f32 to vector<1024x128xf32>
    %logistic3A_35 = arith.addf %logistic3A_34, %logistic3A_32 : vector<1024x128xf32>
    %logistic3A_36 = arith.divf %logistic3A_34, %logistic3A_35 : vector<1024x128xf32>
    %mul3A_37 = arith.mulf %add3A_31, %logistic3A_36 : vector<1024x128xf32>
    %reduce_max3A = arith.constant dense<0xFF800000> : vector<128xf32>
    %reduce_max3A_38 = vector.multi_reduction <maximumf>, %mul3A_37, %reduce_max3A [0] : vector<1024x128xf32> to vector<128xf32>
    %broadcast_in_dim3A_39 = vector.shape_cast %reduce_max3A_38 : vector<128xf32> to vector<1x128xf32>
    %get3A_40 = arith.constant 0 : index
    %get3A_41 = arith.constant 0 : index
    %get3A_42 = vector.load %arg8[%get3A_40, %get3A_41] : memref<128x128xf32, #tpu.memory_space<vmem>>, vector<128x128xf32>
    %dot_general3A_43 = arith.constant dense<0.000000e+00> : vector<1x128xf32>
    %dot_general3A_44 = tpu.matmul %broadcast_in_dim3A_39, %get3A_42, %dot_general3A_43 {dimension_numbers = #tpu.dot_dimension_numbers<[1], [0], [0], [1], [0, 0, 1, 1], [], []>, transpose_lhs_hint = false} : vector<1x128xf32>, vector<128x128xf32>, vector<1x128xf32> -> vector<1x128xf32>
    %get3A_45 = arith.constant 0 : index
    %get3A_46 = vector.load %arg9[%get3A_45] : memref<128xf32, #tpu.memory_space<vmem>>, vector<128xf32>
    %broadcast_in_dim3A_47 = vector.shape_cast %get3A_46 : vector<128xf32> to vector<1x128xf32>
    %add3A_48 = arith.addf %dot_general3A_44, %broadcast_in_dim3A_47 : vector<1x128xf32>
    %get3A_49 = arith.constant 0 : index
    %get3A_50 = vector.load %arg10[%get3A_49] : memref<128xf32, #tpu.memory_space<vmem>>, vector<128xf32>
    %get3A_51 = arith.constant 0 : index
    %get3A_52 = vector.load %arg11[%get3A_51] : memref<128xf32, #tpu.memory_space<vmem>>, vector<128xf32>
    %get3A_53 = arith.constant 0 : index
    %get3A_54 = vector.load %arg12[%get3A_53] : memref<128xf32, #tpu.memory_space<vmem>>, vector<128xf32>
    %get3A_55 = arith.constant 0 : index
    %get3A_56 = vector.load %arg13[%get3A_55] : memref<128xf32, #tpu.memory_space<vmem>>, vector<128xf32>
    %broadcast_in_dim3A_57 = vector.shape_cast %get3A_54 : vector<128xf32> to vector<1x128xf32>
    %sub3A_58 = arith.subf %add3A_48, %broadcast_in_dim3A_57 : vector<1x128xf32>
    %broadcast_in_dim3A_59 = vector.shape_cast %get3A_50 : vector<128xf32> to vector<1x128xf32>
    %mul3A_60 = arith.mulf %broadcast_in_dim3A_59, %sub3A_58 : vector<1x128xf32>
    %add3A_61 = arith.constant 1.000000e-03 : f32
    %add3A_62 = vector.broadcast %add3A_61 : f32 to vector<128xf32>
    %add3A_63 = arith.addf %get3A_56, %add3A_62 : vector<128xf32>
    %rsqrt3A_64 = math.rsqrt %add3A_63 : vector<128xf32>
    %broadcast_in_dim3A_65 = vector.shape_cast %rsqrt3A_64 : vector<128xf32> to vector<1x128xf32>
    %mul3A_66 = arith.mulf %mul3A_60, %broadcast_in_dim3A_65 : vector<1x128xf32>
    %broadcast_in_dim3A_67 = vector.shape_cast %get3A_52 : vector<128xf32> to vector<1x128xf32>
    %add3A_68 = arith.addf %mul3A_66, %broadcast_in_dim3A_67 : vector<1x128xf32>
    %logistic3A_69 = arith.negf %add3A_68 : vector<1x128xf32>
    %logistic3A_70 = math.exp %logistic3A_69 : vector<1x128xf32>
    %logistic3A_71 = arith.constant 1.000000e+00 : f32
    %logistic3A_72 = vector.broadcast %logistic3A_71 : f32 to vector<1x128xf32>
    %logistic3A_73 = arith.addf %logistic3A_72, %logistic3A_70 : vector<1x128xf32>
    %logistic3A_74 = arith.divf %logistic3A_72, %logistic3A_73 : vector<1x128xf32>
    %mul3A_75 = arith.mulf %add3A_68, %logistic3A_74 : vector<1x128xf32>
    %get3A_76 = arith.constant 0 : index
    %get3A_77 = arith.constant 0 : index
    %get3A_78 = vector.load %arg14[%get3A_76, %get3A_77] : memref<128x9xf32, #tpu.memory_space<vmem>>, vector<128x9xf32>
    %dot_general3A_79 = arith.constant dense<0.000000e+00> : vector<1x9xf32>
    %dot_general3A_80 = tpu.matmul %mul3A_75, %get3A_78, %dot_general3A_79 {dimension_numbers = #tpu.dot_dimension_numbers<[1], [0], [0], [1], [0, 0, 1, 1], [], []>, transpose_lhs_hint = false} : vector<1x128xf32>, vector<128x9xf32>, vector<1x9xf32> -> vector<1x9xf32>
    %get3A_81 = arith.constant 0 : index
    %get3A_82 = vector.load %arg15[%get3A_81] : memref<9xf32, #tpu.memory_space<vmem>>, vector<9xf32>
    %broadcast_in_dim3A_83 = vector.shape_cast %get3A_82 : vector<9xf32> to vector<1x9xf32>
    %add3A_84 = arith.addf %dot_general3A_80, %broadcast_in_dim3A_83 : vector<1x9xf32>
    %slice3A = vector.extract_strided_slice %add3A_84 {offsets = [0, 0], sizes = [1, 3], strides = [1, 1]} : vector<1x9xf32> to vector<1x3xf32>
    %slice3A_85 = vector.extract_strided_slice %add3A_84 {offsets = [0, 3], sizes = [1, 3], strides = [1, 1]} : vector<1x9xf32> to vector<1x3xf32>
    %slice3A_86 = vector.extract_strided_slice %add3A_84 {offsets = [0, 6], sizes = [1, 3], strides = [1, 1]} : vector<1x9xf32> to vector<1x3xf32>
    %concatenate3A = tpu.concatenate %slice3A, %slice3A_85, %slice3A_86 in 0 : vector<1x3xf32>, vector<1x3xf32>, vector<1x3xf32> -> vector<3x3xf32>
    %dot_general3A_87 = arith.constant dense<0.000000e+00> : vector<1024x3xf32>
    %dot_general3A_88 = tpu.matmul %get3A_3, %concatenate3A, %dot_general3A_87 {dimension_numbers = #tpu.dot_dimension_numbers<[1], [0], [0], [1], [0, 0, 1, 1], [], []>, transpose_lhs_hint = false} : vector<1024x3xf32>, vector<3x3xf32>, vector<1024x3xf32> -> vector<1024x3xf32>
    %swap3A = arith.constant 0 : index
    %swap3A_89 = arith.constant 0 : index
    %swap3A_90 = arith.constant 0 : index
    %swap3A_91 = vector.load %arg16[%swap3A, %swap3A_89, %swap3A_90] : memref<1x1024x3xf32, #tpu.memory_space<vmem>>, vector<1x1024x3xf32>
    %swap3A_92 = vector.shape_cast %swap3A_91 : vector<1x1024x3xf32> to vector<1024x3xf32>
    %swap3A_93 = vector.shape_cast %dot_general3A_88 : vector<1024x3xf32> to vector<1x1024x3xf32>
    tpu.vector_store %arg16[%swap3A, %swap3A_89, %swap3A_90], %swap3A_93 {strides = array<i32>} : memref<1x1024x3xf32, #tpu.memory_space<vmem>>, vector<1x1024x3xf32>,
    return
  }
  func.func @transform_0(%arg0: i32) -> (i32, i32, i32) {
    %c0_i32 = arith.constant 0 : i32
    %c0_i32_0 = arith.constant 0 : i32
    %c0_i32_1 = arith.constant 0 : i32
    return %arg0, %c0_i32, %c0_i32_0 : i32, i32, i32
  }
  func.func @transform_1(%arg0: i32) -> (i32, i32) {
    %c0_i32 = arith.constant 0 : i32
    %c0_i32_0 = arith.constant 0 : i32
    %c0_i32_1 = arith.constant 0 : i32
    return %c0_i32, %c0_i32_0 : i32, i32
  }
  func.func @transform_2(%arg0: i32) -> i32 {
    %c0_i32 = arith.constant 0 : i32
    %c0_i32_0 = arith.constant 0 : i32
    return %c0_i32 : i32
  }
  func.func @transform_3(%arg0: i32) -> i32 {
    %c0_i32 = arith.constant 0 : i32
    %c0_i32_0 = arith.constant 0 : i32
    return %c0_i32 : i32
  }
  func.func @transform_4(%arg0: i32) -> i32 {
    %c0_i32 = arith.constant 0 : i32
    %c0_i32_0 = arith.constant 0 : i32
    return %c0_i32 : i32
  }
  func.func @transform_5(%arg0: i32) -> i32 {
    %c0_i32 = arith.constant 0 : i32
    %c0_i32_0 = arith.constant 0 : i32
    return %c0_i32 : i32
  }
  func.func @transform_6(%arg0: i32) -> i32 {
    %c0_i32 = arith.constant 0 : i32
    %c0_i32_0 = arith.constant 0 : i32
    return %c0_i32 : i32
  }
  func.func @transform_7(%arg0: i32) -> (i32, i32) {
    %c0_i32 = arith.constant 0 : i32
    %c0_i32_0 = arith.constant 0 : i32
    %c0_i32_1 = arith.constant 0 : i32
    return %c0_i32, %c0_i32_0 : i32, i32
  }
  func.func @transform_8(%arg0: i32) -> i32 {
    %c0_i32 = arith.constant 0 : i32
    %c0_i32_0 = arith.constant 0 : i32
    return %c0_i32 : i32
  }
  func.func @transform_9(%arg0: i32) -> i32 {
    %c0_i32 = arith.constant 0 : i32
    %c0_i32_0 = arith.constant 0 : i32
    return %c0_i32 : i32
  }
  func.func @transform_10(%arg0: i32) -> i32 {
    %c0_i32 = arith.constant 0 : i32
    %c0_i32_0 = arith.constant 0 : i32
    return %c0_i32 : i32
  }
  func.func @transform_11(%arg0: i32) -> i32 {
    %c0_i32 = arith.constant 0 : i32
    %c0_i32_0 = arith.constant 0 : i32
    return %c0_i32 : i32
  }
  func.func @transform_12(%arg0: i32) -> i32 {
    %c0_i32 = arith.constant 0 : i32
    %c0_i32_0 = arith.constant 0 : i32
    return %c0_i32 : i32
  }
  func.func @transform_13(%arg0: i32) -> (i32, i32) {
    %c0_i32 = arith.constant 0 : i32
    %c0_i32_0 = arith.constant 0 : i32
    %c0_i32_1 = arith.constant 0 : i32
    return %c0_i32, %c0_i32_0 : i32, i32
  }
  func.func @transform_14(%arg0: i32) -> i32 {
    %c0_i32 = arith.constant 0 : i32
    %c0_i32_0 = arith.constant 0 : i32
    return %c0_i32 : i32
  }
  func.func @transform_15(%arg0: i32) -> (i32, i32, i32) {
    %c0_i32 = arith.constant 0 : i32
    %c0_i32_0 = arith.constant 0 : i32
    %c0_i32_1 = arith.constant 0 : i32
    return %arg0, %c0_i32, %c0_i32_0 : i32, i32, i32
  }
}

module attributes {stable_mosaic.version = 14 : i64} {
  func.func @_dist_body(%arg0: i32, %arg1: i32, %arg2: memref<1x256x3xf32, #tpu.memory_space<vmem>>, %arg3: memref<1x3x1024xf32, #tpu.memory_space<vmem>>, %arg4: memref<1x256x1024xf32, #tpu.memory_space<vmem>>) attributes {dimension_semantics = [#tpu.dimension_semantics<arbitrary>, #tpu.dimension_semantics<arbitrary>], iteration_bounds = array<i64: 4, 4>, scalar_prefetch = 0 : i64, scratch_operands = 0 : i64, tpu.core_type = #tpu.core_type<tc>, window_params = [{transform_indices = @transform_0, window_bounds = array<i64: 1, 256, 3>}, {transform_indices = @transform_1, window_bounds = array<i64: 1, 3, 1024>}, {transform_indices = @transform_2, window_bounds = array<i64: 1, 256, 1024>}]} {
    %get3A = arith.constant 0 : index
    %get3A_0 = arith.constant 0 : index
    %get3A_1 = arith.constant 0 : index
    %get3A_2 = vector.load %arg2[%get3A, %get3A_0, %get3A_1] : memref<1x256x3xf32, #tpu.memory_space<vmem>>, vector<1x256x3xf32>
    %get3A_3 = vector.shape_cast %get3A_2 : vector<1x256x3xf32> to vector<256x3xf32>
    %get3A_4 = arith.constant 0 : index
    %get3A_5 = arith.constant 0 : index
    %get3A_6 = arith.constant 0 : index
    %get3A_7 = vector.load %arg3[%get3A_4, %get3A_5, %get3A_6] : memref<1x3x1024xf32, #tpu.memory_space<vmem>>, vector<1x3x1024xf32>
    %get3A_8 = vector.shape_cast %get3A_7 : vector<1x3x1024xf32> to vector<3x1024xf32>
    %slice3A = vector.extract_strided_slice %get3A_3 {offsets = [0, 0], sizes = [256, 1], strides = [1, 1]} : vector<256x3xf32> to vector<256x1xf32>
    %slice3A_9 = vector.extract_strided_slice %get3A_8 {offsets = [0, 0], sizes = [1, 1024], strides = [1, 1]} : vector<3x1024xf32> to vector<1x1024xf32>
    %sub3A = vector.broadcast %slice3A : vector<256x1xf32> to vector<256x1024xf32>
    %sub3A_10 = vector.broadcast %slice3A_9 : vector<1x1024xf32> to vector<256x1024xf32>
    %sub3A_11 = arith.subf %sub3A, %sub3A_10 : vector<256x1024xf32>
    %mul3A = arith.mulf %sub3A_11, %sub3A_11 : vector<256x1024xf32>
    %slice3A_12 = vector.extract_strided_slice %get3A_3 {offsets = [0, 1], sizes = [256, 1], strides = [1, 1]} : vector<256x3xf32> to vector<256x1xf32>
    %slice3A_13 = vector.extract_strided_slice %get3A_8 {offsets = [1, 0], sizes = [1, 1024], strides = [1, 1]} : vector<3x1024xf32> to vector<1x1024xf32>
    %sub3A_14 = vector.broadcast %slice3A_12 : vector<256x1xf32> to vector<256x1024xf32>
    %sub3A_15 = vector.broadcast %slice3A_13 : vector<1x1024xf32> to vector<256x1024xf32>
    %sub3A_16 = arith.subf %sub3A_14, %sub3A_15 : vector<256x1024xf32>
    %mul3A_17 = arith.mulf %sub3A_16, %sub3A_16 : vector<256x1024xf32>
    %add3A = arith.addf %mul3A, %mul3A_17 : vector<256x1024xf32>
    %slice3A_18 = vector.extract_strided_slice %get3A_3 {offsets = [0, 2], sizes = [256, 1], strides = [1, 1]} : vector<256x3xf32> to vector<256x1xf32>
    %slice3A_19 = vector.extract_strided_slice %get3A_8 {offsets = [2, 0], sizes = [1, 1024], strides = [1, 1]} : vector<3x1024xf32> to vector<1x1024xf32>
    %sub3A_20 = vector.broadcast %slice3A_18 : vector<256x1xf32> to vector<256x1024xf32>
    %sub3A_21 = vector.broadcast %slice3A_19 : vector<1x1024xf32> to vector<256x1024xf32>
    %sub3A_22 = arith.subf %sub3A_20, %sub3A_21 : vector<256x1024xf32>
    %mul3A_23 = arith.mulf %sub3A_22, %sub3A_22 : vector<256x1024xf32>
    %add3A_24 = arith.addf %add3A, %mul3A_23 : vector<256x1024xf32>
    %max3A = arith.constant 9.99999996E-13 : f32
    %max3A_25 = vector.broadcast %max3A : f32 to vector<256x1024xf32>
    %max3A_26 = arith.maximumf %add3A_24, %max3A_25 : vector<256x1024xf32>
    %sqrt3A = math.sqrt %max3A_26 : vector<256x1024xf32>
    %swap3A = arith.constant 0 : index
    %swap3A_27 = arith.constant 0 : index
    %swap3A_28 = arith.constant 0 : index
    %swap3A_29 = vector.load %arg4[%swap3A, %swap3A_27, %swap3A_28] : memref<1x256x1024xf32, #tpu.memory_space<vmem>>, vector<1x256x1024xf32>
    %swap3A_30 = vector.shape_cast %swap3A_29 : vector<1x256x1024xf32> to vector<256x1024xf32>
    %swap3A_31 = vector.shape_cast %sqrt3A : vector<256x1024xf32> to vector<1x256x1024xf32>
    tpu.vector_store %arg4[%swap3A, %swap3A_27, %swap3A_28], %swap3A_31 {strides = array<i32>} : memref<1x256x1024xf32, #tpu.memory_space<vmem>>, vector<1x256x1024xf32>,
    return
  }
  func.func @transform_0(%arg0: i32, %arg1: i32) -> (i32, i32, i32) {
    %c0_i32 = arith.constant 0 : i32
    %c0_i32_0 = arith.constant 0 : i32
    return %arg0, %arg1, %c0_i32 : i32, i32, i32
  }
  func.func @transform_1(%arg0: i32, %arg1: i32) -> (i32, i32, i32) {
    %c0_i32 = arith.constant 0 : i32
    %c0_i32_0 = arith.constant 0 : i32
    %c0_i32_1 = arith.constant 0 : i32
    return %arg0, %c0_i32, %c0_i32_0 : i32, i32, i32
  }
  func.func @transform_2(%arg0: i32, %arg1: i32) -> (i32, i32, i32) {
    %c0_i32 = arith.constant 0 : i32
    %c0_i32_0 = arith.constant 0 : i32
    return %arg0, %arg1, %c0_i32 : i32, i32, i32
  }
}

module attributes {stable_mosaic.version = 14 : i64} {
  func.func @_conv_body(%arg0: i32, %arg1: i32, %arg2: memref<1x8192x16xf32, #tpu.memory_space<vmem>>, %arg3: memref<16x256xf32, #tpu.memory_space<vmem>>, %arg4: memref<256xf32, #tpu.memory_space<vmem>>, %arg5: memref<256x256xf32, #tpu.memory_space<vmem>>, %arg6: memref<256xf32, #tpu.memory_space<vmem>>, %arg7: memref<256x256xf32, #tpu.memory_space<vmem>>, %arg8: memref<256xf32, #tpu.memory_space<vmem>>, %arg9: memref<256x128xf32, #tpu.memory_space<vmem>>, %arg10: memref<128xf32, #tpu.memory_space<vmem>>, %arg11: memref<1x16x128xf32, #tpu.memory_space<vmem>>) attributes {dimension_semantics = [#tpu.dimension_semantics<arbitrary>, #tpu.dimension_semantics<arbitrary>], iteration_bounds = array<i64: 4, 2>, scalar_prefetch = 0 : i64, scratch_operands = 0 : i64, tpu.core_type = #tpu.core_type<tc>, window_params = [{transform_indices = @transform_0, window_bounds = array<i64: 1, 8192, 16>}, {pipeline_mode = #tpu.pipeline_mode<synchronous>, transform_indices = @transform_1, window_bounds = array<i64: 16, 256>}, {pipeline_mode = #tpu.pipeline_mode<synchronous>, transform_indices = @transform_2, window_bounds = array<i64: 256>}, {pipeline_mode = #tpu.pipeline_mode<synchronous>, transform_indices = @transform_3, window_bounds = array<i64: 256, 256>}, {pipeline_mode = #tpu.pipeline_mode<synchronous>, transform_indices = @transform_4, window_bounds = array<i64: 256>}, {pipeline_mode = #tpu.pipeline_mode<synchronous>, transform_indices = @transform_5, window_bounds = array<i64: 256, 256>}, {pipeline_mode = #tpu.pipeline_mode<synchronous>, transform_indices = @transform_6, window_bounds = array<i64: 256>}, {pipeline_mode = #tpu.pipeline_mode<synchronous>, transform_indices = @transform_7, window_bounds = array<i64: 256, 128>}, {pipeline_mode = #tpu.pipeline_mode<synchronous>, transform_indices = @transform_8, window_bounds = array<i64: 128>}, {transform_indices = @transform_9, window_bounds = array<i64: 1, 16, 128>}]} {
    %get3A = arith.constant 0 : index
    %get3A_0 = arith.constant 0 : index
    %get3A_1 = arith.constant 0 : index
    %get3A_2 = vector.load %arg2[%get3A, %get3A_0, %get3A_1] : memref<1x8192x16xf32, #tpu.memory_space<vmem>>, vector<1x8192x16xf32>
    %get3A_3 = vector.shape_cast %get3A_2 : vector<1x8192x16xf32> to vector<8192x16xf32>
    %get3A_4 = arith.constant 0 : index
    %get3A_5 = arith.constant 0 : index
    %get3A_6 = vector.load %arg3[%get3A_4, %get3A_5] : memref<16x256xf32, #tpu.memory_space<vmem>>, vector<16x256xf32>
    %dot_general3A = arith.constant dense<0.000000e+00> : vector<8192x256xf32>
    %dot_general3A_7 = tpu.matmul %get3A_3, %get3A_6, %dot_general3A {dimension_numbers = #tpu.dot_dimension_numbers<[1], [0], [0], [1], [0, 0, 1, 1], [], []>, transpose_lhs_hint = false} : vector<8192x16xf32>, vector<16x256xf32>, vector<8192x256xf32> -> vector<8192x256xf32>
    %get3A_8 = arith.constant 0 : index
    %get3A_9 = vector.load %arg4[%get3A_8] : memref<256xf32, #tpu.memory_space<vmem>>, vector<256xf32>
    %broadcast_in_dim3A = vector.shape_cast %get3A_9 : vector<256xf32> to vector<1x256xf32>
    %add3A = vector.broadcast %broadcast_in_dim3A : vector<1x256xf32> to vector<8192x256xf32>
    %add3A_10 = arith.addf %dot_general3A_7, %add3A : vector<8192x256xf32>
    %logistic3A = arith.negf %add3A_10 : vector<8192x256xf32>
    %logistic3A_11 = math.exp %logistic3A : vector<8192x256xf32>
    %logistic3A_12 = arith.constant 1.000000e+00 : f32
    %logistic3A_13 = vector.broadcast %logistic3A_12 : f32 to vector<8192x256xf32>
    %logistic3A_14 = arith.addf %logistic3A_13, %logistic3A_11 : vector<8192x256xf32>
    %logistic3A_15 = arith.divf %logistic3A_13, %logistic3A_14 : vector<8192x256xf32>
    %mul3A = arith.mulf %add3A_10, %logistic3A_15 : vector<8192x256xf32>
    %get3A_16 = arith.constant 0 : index
    %get3A_17 = arith.constant 0 : index
    %get3A_18 = vector.load %arg5[%get3A_16, %get3A_17] : memref<256x256xf32, #tpu.memory_space<vmem>>, vector<256x256xf32>
    %dot_general3A_19 = arith.constant dense<0.000000e+00> : vector<8192x256xf32>
    %dot_general3A_20 = tpu.matmul %mul3A, %get3A_18, %dot_general3A_19 {dimension_numbers = #tpu.dot_dimension_numbers<[1], [0], [0], [1], [0, 0, 1, 1], [], []>, transpose_lhs_hint = false} : vector<8192x256xf32>, vector<256x256xf32>, vector<8192x256xf32> -> vector<8192x256xf32>
    %get3A_21 = arith.constant 0 : index
    %get3A_22 = vector.load %arg6[%get3A_21] : memref<256xf32, #tpu.memory_space<vmem>>, vector<256xf32>
    %broadcast_in_dim3A_23 = vector.shape_cast %get3A_22 : vector<256xf32> to vector<1x256xf32>
    %add3A_24 = vector.broadcast %broadcast_in_dim3A_23 : vector<1x256xf32> to vector<8192x256xf32>
    %add3A_25 = arith.addf %dot_general3A_20, %add3A_24 : vector<8192x256xf32>
    %add3A_26 = arith.addf %mul3A, %add3A_25 : vector<8192x256xf32>
    %get3A_27 = arith.constant 0 : index
    %get3A_28 = arith.constant 0 : index
    %get3A_29 = vector.load %arg7[%get3A_27, %get3A_28] : memref<256x256xf32, #tpu.memory_space<vmem>>, vector<256x256xf32>
    %dot_general3A_30 = arith.constant dense<0.000000e+00> : vector<8192x256xf32>
    %dot_general3A_31 = tpu.matmul %add3A_26, %get3A_29, %dot_general3A_30 {dimension_numbers = #tpu.dot_dimension_numbers<[1], [0], [0], [1], [0, 0, 1, 1], [], []>, transpose_lhs_hint = false} : vector<8192x256xf32>, vector<256x256xf32>, vector<8192x256xf32> -> vector<8192x256xf32>
    %get3A_32 = arith.constant 0 : index
    %get3A_33 = vector.load %arg8[%get3A_32] : memref<256xf32, #tpu.memory_space<vmem>>, vector<256xf32>
    %broadcast_in_dim3A_34 = vector.shape_cast %get3A_33 : vector<256xf32> to vector<1x256xf32>
    %add3A_35 = vector.broadcast %broadcast_in_dim3A_34 : vector<1x256xf32> to vector<8192x256xf32>
    %add3A_36 = arith.addf %dot_general3A_31, %add3A_35 : vector<8192x256xf32>
    %logistic3A_37 = arith.negf %add3A_36 : vector<8192x256xf32>
    %logistic3A_38 = math.exp %logistic3A_37 : vector<8192x256xf32>
    %logistic3A_39 = arith.constant 1.000000e+00 : f32
    %logistic3A_40 = vector.broadcast %logistic3A_39 : f32 to vector<8192x256xf32>
    %logistic3A_41 = arith.addf %logistic3A_40, %logistic3A_38 : vector<8192x256xf32>
    %logistic3A_42 = arith.divf %logistic3A_40, %logistic3A_41 : vector<8192x256xf32>
    %mul3A_43 = arith.mulf %add3A_36, %logistic3A_42 : vector<8192x256xf32>
    %get3A_44 = arith.constant 0 : index
    %get3A_45 = arith.constant 0 : index
    %get3A_46 = vector.load %arg9[%get3A_44, %get3A_45] : memref<256x128xf32, #tpu.memory_space<vmem>>, vector<256x128xf32>
    %dot_general3A_47 = arith.constant dense<0.000000e+00> : vector<8192x128xf32>
    %dot_general3A_48 = tpu.matmul %mul3A_43, %get3A_46, %dot_general3A_47 {dimension_numbers = #tpu.dot_dimension_numbers<[1], [0], [0], [1], [0, 0, 1, 1], [], []>, transpose_lhs_hint = false} : vector<8192x256xf32>, vector<256x128xf32>, vector<8192x128xf32> -> vector<8192x128xf32>
    %get3A_49 = arith.constant 0 : index
    %get3A_50 = vector.load %arg10[%get3A_49] : memref<128xf32, #tpu.memory_space<vmem>>, vector<128xf32>
    %broadcast_in_dim3A_51 = vector.shape_cast %get3A_50 : vector<128xf32> to vector<1x128xf32>
    %add3A_52 = vector.broadcast %broadcast_in_dim3A_51 : vector<1x128xf32> to vector<8192x128xf32>
    %add3A_53 = arith.addf %dot_general3A_48, %add3A_52 : vector<8192x128xf32>
    %logistic3A_54 = arith.negf %add3A_53 : vector<8192x128xf32>
    %logistic3A_55 = math.exp %logistic3A_54 : vector<8192x128xf32>
    %logistic3A_56 = arith.constant 1.000000e+00 : f32
    %logistic3A_57 = vector.broadcast %logistic3A_56 : f32 to vector<8192x128xf32>
    %logistic3A_58 = arith.addf %logistic3A_57, %logistic3A_55 : vector<8192x128xf32>
    %logistic3A_59 = arith.divf %logistic3A_57, %logistic3A_58 : vector<8192x128xf32>
    %mul3A_60 = arith.mulf %add3A_53, %logistic3A_59 : vector<8192x128xf32>
    %reshape3A = vector.shape_cast %mul3A_60 : vector<8192x128xf32> to vector<512x16x128xf32>
    %reduce_max3A = arith.constant dense<0xFF800000> : vector<16x128xf32>
    %reduce_max3A_61 = vector.multi_reduction <maximumf>, %reshape3A, %reduce_max3A [0] : vector<512x16x128xf32> to vector<16x128xf32>
    %eq3A = arith.constant 0 : i32
    %eq3A_62 = arith.cmpi eq, %arg1, %eq3A : i32
    %convert_element_type3A = arith.extui %eq3A_62 : i1 to i32
    %cond3A = arith.constant 0 : i32
    %cond3A_63 = arith.cmpi ne, %convert_element_type3A, %cond3A : i32
    scf.if %cond3A_63 {
      %swap3A = arith.constant 0 : index
      %swap3A_68 = arith.constant 0 : index
      %swap3A_69 = arith.constant 0 : index
      %swap3A_70 = vector.load %arg11[%swap3A, %swap3A_68, %swap3A_69] : memref<1x16x128xf32, #tpu.memory_space<vmem>>, vector<1x16x128xf32>
      %swap3A_71 = vector.shape_cast %swap3A_70 : vector<1x16x128xf32> to vector<16x128xf32>
      %swap3A_72 = vector.shape_cast %reduce_max3A_61 : vector<16x128xf32> to vector<1x16x128xf32>
      tpu.vector_store %arg11[%swap3A, %swap3A_68, %swap3A_69], %swap3A_72 {strides = array<i32>} : memref<1x16x128xf32, #tpu.memory_space<vmem>>, vector<1x16x128xf32>,
    } else {
    }
    %ne3A = arith.constant 0 : i32
    %ne3A_64 = arith.cmpi ne, %arg1, %ne3A : i32
    %convert_element_type3A_65 = arith.extui %ne3A_64 : i1 to i32
    %cond3A_66 = arith.constant 0 : i32
    %cond3A_67 = arith.cmpi ne, %convert_element_type3A_65, %cond3A_66 : i32
    scf.if %cond3A_67 {
      %get3A_68 = arith.constant 0 : index
      %get3A_69 = arith.constant 0 : index
      %get3A_70 = arith.constant 0 : index
      %get3A_71 = vector.load %arg11[%get3A_68, %get3A_69, %get3A_70] : memref<1x16x128xf32, #tpu.memory_space<vmem>>, vector<1x16x128xf32>
      %get3A_72 = vector.shape_cast %get3A_71 : vector<1x16x128xf32> to vector<16x128xf32>
      %max3A = arith.maximumf %get3A_72, %reduce_max3A_61 : vector<16x128xf32>
      %swap3A = arith.constant 0 : index
      %swap3A_73 = arith.constant 0 : index
      %swap3A_74 = arith.constant 0 : index
      %swap3A_75 = vector.load %arg11[%swap3A, %swap3A_73, %swap3A_74] : memref<1x16x128xf32, #tpu.memory_space<vmem>>, vector<1x16x128xf32>
      %swap3A_76 = vector.shape_cast %swap3A_75 : vector<1x16x128xf32> to vector<16x128xf32>
      %swap3A_77 = vector.shape_cast %max3A : vector<16x128xf32> to vector<1x16x128xf32>
      tpu.vector_store %arg11[%swap3A, %swap3A_73, %swap3A_74], %swap3A_77 {strides = array<i32>} : memref<1x16x128xf32, #tpu.memory_space<vmem>>, vector<1x16x128xf32>,
    } else {
    }
    return
  }
  func.func @transform_0(%arg0: i32, %arg1: i32) -> (i32, i32, i32) {
    %c0_i32 = arith.constant 0 : i32
    %c0_i32_0 = arith.constant 0 : i32
    return %arg0, %arg1, %c0_i32 : i32, i32, i32
  }
  func.func @transform_1(%arg0: i32, %arg1: i32) -> (i32, i32) {
    %c0_i32 = arith.constant 0 : i32
    %c0_i32_0 = arith.constant 0 : i32
    %c0_i32_1 = arith.constant 0 : i32
    return %c0_i32, %c0_i32_0 : i32, i32
  }
  func.func @transform_2(%arg0: i32, %arg1: i32) -> i32 {
    %c0_i32 = arith.constant 0 : i32
    %c0_i32_0 = arith.constant 0 : i32
    return %c0_i32 : i32
  }
  func.func @transform_3(%arg0: i32, %arg1: i32) -> (i32, i32) {
    %c0_i32 = arith.constant 0 : i32
    %c0_i32_0 = arith.constant 0 : i32
    %c0_i32_1 = arith.constant 0 : i32
    return %c0_i32, %c0_i32_0 : i32, i32
  }
  func.func @transform_4(%arg0: i32, %arg1: i32) -> i32 {
    %c0_i32 = arith.constant 0 : i32
    %c0_i32_0 = arith.constant 0 : i32
    return %c0_i32 : i32
  }
  func.func @transform_5(%arg0: i32, %arg1: i32) -> (i32, i32) {
    %c0_i32 = arith.constant 0 : i32
    %c0_i32_0 = arith.constant 0 : i32
    %c0_i32_1 = arith.constant 0 : i32
    return %c0_i32, %c0_i32_0 : i32, i32
  }
  func.func @transform_6(%arg0: i32, %arg1: i32) -> i32 {
    %c0_i32 = arith.constant 0 : i32
    %c0_i32_0 = arith.constant 0 : i32
    return %c0_i32 : i32
  }
  func.func @transform_7(%arg0: i32, %arg1: i32) -> (i32, i32) {
    %c0_i32 = arith.constant 0 : i32
    %c0_i32_0 = arith.constant 0 : i32
    %c0_i32_1 = arith.constant 0 : i32
    return %c0_i32, %c0_i32_0 : i32, i32
  }
  func.func @transform_8(%arg0: i32, %arg1: i32) -> i32 {
    %c0_i32 = arith.constant 0 : i32
    %c0_i32_0 = arith.constant 0 : i32
    return %c0_i32 : i32
  }
  func.func @transform_9(%arg0: i32, %arg1: i32) -> (i32, i32, i32) {
    %c0_i32 = arith.constant 0 : i32
    %c0_i32_0 = arith.constant 0 : i32
    %c0_i32_1 = arith.constant 0 : i32
    return %arg0, %c0_i32, %c0_i32_0 : i32, i32, i32
  }
}

</mosaic_0001>

<sc_bundles>
// kernel: kernel.6.cloned.1.call-start
scs
__scs_entry_jumppad:
0x0: {  	(pc) =	sbr.rel $0x88, $3  }
0x1: {  	(tag) =	ssettag $0x0;
	lr =	simm.s32 $0x1  }
0x2: {  	[smem:$0x3F7E] =	sst lr;
	_ =	strace $0xD0000000  }
0x3: {  	_ = 	snop  }
0x4: {  	_ = 	snop  }
0x5: {  	_ = 	snop  }
0x6: {  	_ = 	snop  }
0x7: {  	_ = 	snop  }
__scs_overlays_trampoline_lowered:
0x8: {  	[smem:$0x3F8D] =	sst s0  }
0x9: {  	[smem:$0x3F8E] =	sst s1  }
0xa: {  	[smem:$0x3F8F] =	sst s2  }
0xb: {  	[smem:$0x3F90] =	sst s3  }
0xc: {  	[smem:$0x3F91] =	sst s4  }
0xd: {  	[smem:$0x3F92] =	sst s5  }
0xe: {  	[smem:$0x3F93] =	sst s6  }
0xf: {  	[smem:$0x3F94] =	sst s7  }
0x10: {  	[smem:$0x3F95] =	sst s8  }
0x11: {  	[smem:$0x3F96] =	sst s9;
	s0 =	simm.s32 @!p0 $0x0  }
0x12: {  	s1 =	sld [smem:$0x3F7C];
	s0 =	simm.s32 @p0 $0x1  }
0x13: {  	[smem:$0x3F97] =	sst s0;
	s0 =	simm.s32 @!p1 $0x0  }
0x14: {  	s2 =	sld [smem:$0x3F7B];
	s0 =	simm.s32 @p1 $0x1  }
0x15: {  	[smem:$0x3F98] =	sst s0;
	s0 =	simm.s32 @!p2 $0x0  }
0x16: {  	s3 =	sld [smem:$0x3FDB];
	s0 =	simm.s32 @p2 $0x1  }
0x17: {  	s4 =	simm.s32 $0x1BF5;
	[smem:$0x3F9A] =	sst s0  }
0x18: {  	s0 =	sld [smem:$0x3F7D];
	_ =	swait.ge [sflag:s4], $0x0  }
0x19: {  	s7 =	sld [smem:$0x3F7E]  }
0x1a: {  	s8 =	sadd.s32 $0xFFFFE003, lr  }
0x1b: {  	s9 =	sadd.s32 $0xFFFFFEF7, lr;
	s5 =	simm.s32 $0xFFFFFFFF;
	p2 =	slt.u32 s8, $0xFFFFF086  }
0x1c: {  	p1 =	slt.u32 s9, $0xF7A;
	s5 =	simm.s32 @!p2 $0x0  }
0x1d: {  	s5 =	simm.s32 @p1 $0x1;
	p0 =	seq.s32 s7, s2  }
0x1e: {  	s7 =	smul.u32 @!p0 $0xF7A, s2;
	p2 =	seq.s32 @!p0 s5, $0x0  }
0x1f: {  	s9 =	smul.u32 $0xF7A, s1;
	s8 =	simm.s32 @!p0 $0x1BF5;
	p2 =	por !p2, p0  }
0x20: {  	[sflag:s8] =	ssyncset.s32 @!p0 $0xFFFFF086;
	s6 =	sadd.s32 @!p0 s3, s7;
	s7 =	simm.s32 @!p0 $0x108  }
0x21: {  	s3 =	sadd.s32 s3, s9;
	s6 =	sadd.s32 @!p0 $0x88, s6;
	s7 =	simm.s32 @p2 $0x1082  }
0x22: {  	[simem:s7], [sflag:s8] =	dma.local @!p0 [hbm:s6], $0xF7A  }
0x23: {  	s9 =	sor.u32 $0xD0000000, s2;
	s6 =	simm.s32 $0x108;
	_ =	swait.ge @!p0 [sflag:s8], $0x0  }
0x24: {  	s3 =	sadd.s32 $0x88, s3;
	s6 =	simm.s32 @!p1 $0x1082;
	[sflag:s4] =	ssyncset.s32 $0xFFFFF086  }
0x25: {  	[simem:s6], [sflag:s4] =	dma.local [hbm:s3], $0xF7A  }
0x26: {  	[smem:$0x3F7E] =	sst s1;
	(tag) =	ssettag s2;
	_ =	strace s9  }
0x27: {  	s1 =	sld [smem:$0x3F8E]  }
0x28: {  	s2 =	sld [smem:$0x3F8F]  }
0x29: {  	s4 =	sld [smem:$0x3F91]  }
0x2a: {  	p0 =	seq.s32 s5, $0x0;
	s5 =	sld [smem:$0x3F92]  }
0x2b: {  	s6 =	sld [smem:$0x3F93]  }
0x2c: {  	s7 =	sld [smem:$0x3F94]  }
0x2d: {  	s3 =	simm.s32 $0x108;
	s8 =	sld [smem:$0x3F95]  }
0x2e: {  	s3 =	simm.s32 @!p0 $0x1082;
	s9 =	sld [smem:$0x3F96]  }
0x2f: {  	lr =	sadd.s32 s0, s3;
	s0 =	sld [smem:$0x3F8D]  }
0x30: {  	s3 =	sld [smem:$0x3F90]  }
0x31: {  	[smem:$0x3F99] =	sst s10  }
0x32: {  	s10 =	sld [smem:$0x3F97];
	_ =	sdelay $0x3  }
0x33: {  	p0 =	seq.s32 s10, $0x1;
	s10 =	sld [smem:$0x3F99];
	_ =	sdelay $0x3  }
0x34: {  	[smem:$0x3F99] =	sst s10  }
0x35: {  	s10 =	sld [smem:$0x3F98];
	_ =	sdelay $0x3  }
0x36: {  	p1 =	seq.s32 s10, $0x1;
	s10 =	sld [smem:$0x3F99];
	_ =	sdelay $0x3  }
0x37: {  	[smem:$0x3F99] =	sst s10  }
0x38: {  	s10 =	sld [smem:$0x3F9A]  }
0x39: {  	_ = 	snop;
	(pc) =	sbr.ind lr, $3  }
0x3a: {  	_ = 	snop  }
0x3b: {  	_ = 	snop  }
0x3c: {  	p2 =	seq.s32 s10, $0x1;
	s10 =	sld [smem:$0x3F99]  }
0x3d: {  	_ =	shalt  }
0x3e: {  	_ =	shalt  }
0x3f: {  	_ =	shalt  }
0x40: {  	_ =	shalt  }
0x41: {  	_ =	shalt  }
0x42: {  	_ =	shalt  }
0x43: {  	_ =	shalt  }
0x44: {  	_ =	shalt  }
0x45: {  	_ =	shalt  }
0x46: {  	_ =	shalt  }
0x47: {  	_ =	shalt  }
0x48: {  	_ =	shalt  }
0x49: {  	_ =	shalt  }
0x4a: {  	_ =	shalt  }
0x4b: {  	_ =	shalt  }
0x4c: {  	_ =	shalt  }
0x4d: {  	_ =	shalt  }
0x4e: {  	_ =	shalt  }
0x4f: {  	_ =	shalt  }
0x50: {  	_ =	shalt  }
0x51: {  	_ =	shalt  }
0x52: {  	_ =	shalt  }
0x53: {  	_ =	shalt  }
0x54: {  	_ =	shalt  }
0x55: {  	_ =	shalt  }
0x56: {  	_ =	shalt  }
0x57: {  	_ =	shalt  }
0x58: {  	_ =	shalt  }
0x59: {  	_ =	shalt  }
0x5a: {  	_ =	shalt  }
0x5b: {  	_ =	shalt  }
0x5c: {  	_ =	shalt  }
0x5d: {  	_ =	shalt  }
0x5e: {  	_ =	shalt  }
0x5f: {  	_ =	shalt  }
0x60: {  	_ =	shalt  }
0x61: {  	_ =	shalt  }
0x62: {  	_ =	shalt  }
0x63: {  	_ =	shalt  }
0x64: {  	_ =	shalt  }
0x65: {  	_ =	shalt  }
0x66: {  	_ =	shalt  }
0x67: {  	_ =	shalt  }
0x68: {  	_ =	shalt  }
0x69: {  	_ =	shalt  }
0x6a: {  	_ =	shalt  }
0x6b: {  	_ =	shalt  }
0x6c: {  	_ =	shalt  }
0x6d: {  	_ =	shalt  }
0x6e: {  	_ =	shalt  }
0x6f: {  	_ =	shalt  }
0x70: {  	_ =	shalt  }
0x71: {  	_ =	shalt  }
0x72: {  	_ =	shalt  }
0x73: {  	_ =	shalt  }
0x74: {  	_ =	shalt  }
0x75: {  	_ =	shalt  }
0x76: {  	_ =	shalt  }
0x77: {  	_ =	shalt  }
0x78: {  	_ =	shalt  }
0x79: {  	_ =	shalt  }
0x7a: {  	_ =	shalt  }
0x7b: {  	_ =	shalt  }
0x7c: {  	_ =	shalt  }
0x7d: {  	_ =	shalt  }
0x7e: {  	_ =	shalt  }
0x7f: {  	_ =	shalt  }
0x80: {  	_ =	shalt  }
0x81: {  	_ =	shalt  }
0x82: {  	_ =	shalt  }
0x83: {  	_ =	shalt  }
0x84: {  	_ =	shalt  }
0x85: {  	_ =	shalt  }
0x86: {  	_ =	shalt  }
0x87: {  	_ =	shalt  }
.Lfunc_end0:
.L_simem_size_0:
called_computation_lowered:
.L_overlay_start_0:
0x88: {  	s2 =	sld [smem:$0x3FD9]  }
0x89: {  	s3 =	sld [smem:$0x3FFE];
	_ =	sdelay $0x1  }
0x8a: {  	s1 =	srdreg.scid  }
0x8b: {  	s0 =	sand.u32 $0x1, s1  }
0x8c: {  	s16 =	sshll.u32 s0, $0xA;
	s2 =	sadd.s32 s3, s2  }
0x8d: {  	s2 =	sadd.s32 s2, s16  }
0x8e: {  	[smem:$0x3FA5] =	sst s2  }
0x8f: {  	_ = 	snop  }
0x90: {  	(tm) =	ssettm $0x1  }
0x91: {  	s17 =	sld [smem:$0x3FFB];
	_ =	sdelay $0x3  }
0x92: {  	_ =	strace s17  }
0x93: {  	s2 =	sld [smem:$0x3FFC];
	_ =	sdelay $0x3  }
0x94: {  	_ =	strace s2  }
0x95: {  	s2 =	sld [smem:$0x3FFD];
	_ =	sdelay $0x3  }
0x96: {  	_ =	strace s2  }
0x97: {  	_ =	strace $0x8FFFFFFF  }
0x98: {  	s18 =	sld [smem:$0x3FDB];
	_ =	sdelay $0x1  }
0x99: {  	s19 =	simm.s32 $_scs_section_size  }
0x9a: {  	s4 =	simm.s32 $_size__tile_overlayer_lowered;
	s5 =	simm.s32 $_tile_overlayer_lowered  }
0x9b: {  	s22 =	simm.s32 $0x1BFF;
	s21 =	sshll.u32 s5, $0x1;
	s2 =	sadd.s32 s19, s18  }
0x9c: {  	s6 =	simm.s32 $0x0;
	s20 =	sshll.u32 s4, $0x1;
	s4 =	sadd.s32 s21, s2  }
0x9d: {  	[timem:s6], [sflag:s22] =	dma.local [hbm:s4], s20  }
0x9e: {  	_ =	swait.ge [sflag:s22], s20  }
0x9f: {  	s3 =	ssub.s32 $0x0, s20;
	[sflag:s22] =	ssyncset.done $0x0  }
0xa0: {  	[sflag:s22] =	ssyncadd.s32 s3;
	_ =	sdelay $0x1  }
0xa1: {  	s23 =	simm.s32 $0x1B8B  }
0xa2: {  	_ =	swait.ge [sflag:s23], $0x1  }
0xa3: {  	[sflag:s23] =	ssyncset.done $0x0  }
0xa4: {  	s25 =	simm.s32 $0x1B8E;
	s24 =	sld [smem:$0x3FFE];
	[sflag:s23] =	ssyncadd.s32 $0xFFFFFFFF  }
0xa5: {  	s26 =	simm.s32 $execute0_lowered;
	[smem:$0x3FD2] =	sst s25  }
0xa6: {  	s4 =	sshll.u32 s26, $0x1;
	_ =	strace $0x80000046;
	[dreg:$0x1] =	wrdreg $0xFFFFFFFF  }
0xa7: {  	s28 =	simm.s32 $_size_execute0_lowered;
	s2 =	sadd.s32 s2, s4;
	[dreg:$0x0] =	wrdreg $0x0  }
0xa8: {  	s4 =	sshll.u32 s28, $0x1;
	[dreg:$0x2] =	wrdreg s2  }
0xa9: {  	[dreg:$0x3] =	wrdreg s4  }
0xaa: {  	[dreg:$0x4] =	wrdreg $0xC0  }
0xab: {  	_ =	task [dreg:s6], $0x5FFFF  }
0xac: {  	[dreg:$0x1] =	wrdreg $0xFFFFFFFF  }
0xad: {  	[dreg:$0x0] =	wrdreg $0x60  }
0xae: {  	[dreg:$0x2] =	wrdreg s24  }
0xaf: {  	[dreg:$0x3] =	wrdreg $0x9  }
0xb0: {  	_ =	task.clear_ibuf [dreg:s6], $0x4FFFF;
	_ =	strace $0x90000046  }
0xb1: {  	s29 =	simm.s32 $0x9;
	_ =	strace $0x80000048  }
0xb2: {  	_ =	swait.ge [sflag:s29], $0x1  }
0xb3: {  	[sflag:s29] =	ssyncadd.s32 $0xFFFFFFFF  }
0xb4: {  	_ =	strace $0x90000048  }
0xb5: {  	_ =	sfence  }
0xb6: {  	s30 =	sld [smem:$0x0];
	_ =	sdelay $0x2  }
0xb7: {  	s31 =	sshll.u32 s1, $0xD;
	s1 =	sshrl.u32 s1, $0x2  }
0xb8: {  	s3 =	sand.u32 $0x4000, s31;
	s1 =	sadd.s32 s1, s30  }
0xb9: {  	s0 =	sor.u32 s3, s0;
	s1 =	sshll.u32 s1, $0x11  }
0xba: {  	s0 =	sor.u32 s1, s0  }
0xbb: {  	s0 =	sadd.s32 $0x8F2B, s0  }
0xbc: {  	[sflag:s0] =	ssyncadd.remote.s32 $0x1  }
0xbd: {  	_ =	sfence.sel $0xFFFF  }
0xbe: {  	[dreg:$0x0] =	wrdreg $0xFFFFFFFF;
	(pc) =	sbr.abs _section_cstart, $3  }
0xbf: {  	[dreg:$0x1] =	wrdreg $0xFFFFFFFF  }
0xc0: {  	_ =	task.clear_ibuf [dreg:s6], $0x2FFFF;
	_ =	strace $0x9FFFFFFF  }
0xc1: {  	(tm) =	ssettm $0x7FFFFFFF  }
tec
execute0_lowered:
.L_overlay_start_1:
0x0: {  	(tag) =	ssettag $0x1  }
0x1: {  	s0 =	rddreg [dreg:$0x0]  }
0x2: {  	s2 =	simm.s32 $0x0;
	s7 =	stileid.u32;
	s4 =	srdreg.scid  }
0x3: {  	s10 =	simm.s32 $0x8000;
	s11 =	simm.s32 $0x1;
	s12 =	simm.s32 $0x18C00  }
0x4: {  	s13 =	simm.s32 $0x18D00;
	s14 =	simm.s32 $0x8C00;
	s15 =	simm.s32 $0x18C80  }
0x5: {  	s16 =	simm.s32 $0x18D80;
	s17 =	simm.s32 $0x18E80;
	s18 =	simm.s32 $0x18E00  }
0x6: {  	s19 =	simm.s32 $0x19300;
	[smem:$0x7FF] =	sst s2;
	s1 =	sshrl.u32 s7, $0x2  }
0x7: {  	s4 =	sand.u32 $0x1, s4;
	s7 =	sshll.u32 s7, $0x1;
	_ =	strace $0x80000047  }
0x8: {  	s3 =	sshll.u32 s1, $0x11;
	s24 =	sshll.u32 s1, $0x4;
	s7 =	sand.u32 $0x6, s7  }
0x9: {  	s25 =	ssub.s32 $0x2, s4;
	s1 =	sshll.u32 s1, $0x12;
	s28 =	sor.u32 s4, s7  }
0xa: {  	s5 =	sadd.s32 s3, s0;
	s6 =	sadd.s32 s24, s0;
	s3 =	sshll.u32 s28, $0x7  }
0xb: {  	s8 =	sshrl.u32 s25, $0x1;
	s29 =	sadd.s32 $0x4C00, s6;
	[dreg:$0x2] =	wrdreg s3  }
0xc: {  	s26 =	ssub.s32 s25, s8;
	s30 =	sadd.s32 $0x5200, s5;
	[dreg:$0x3] =	wrdreg s29  }
0xd: {  	v0 =	vlaneseq.u32;
	s0 =	sadd.s32 s1, s0;
	[dreg:$0x4] =	wrdreg s30;
	s31 =	smax.u32 s26, $0x1  }
0xe: {  	v1 =	vimm.f32 $0.0e+00;
	v2 =	vmul.u32 $0x80, v0;
	s1 =	simm.s32 $0x0;
	s6 =	sadd.s32 $0x85200, s0;
	[dreg:$0x5] =	wrdreg s31  }
.LBB2_1:
0xf: {  	[dreg:$0x6] =	wrdreg s1  }
0x10: {  	s0 =	rddreg [dreg:$0x3];
	s31 =	simm.s32 $0x80;
	s3 =	simm.s32 $0x200  }
0x11: {  	[tilespmem:s10], [sflag:$0x1] =	stream.strided.gather [hbm4b:s0+s31], $0xC00, s3, s31, $0x38;
	[tilespmem:$0x19780] =	vst v63  }
0x12: {  	_ =	swait.ge [sflag:s11], $0xC00  }
0x13: {  	[sflag:s11] =	ssyncset.done $0x0  }
0x14: {  	s1 =	simm.s32 $0x0;
	s0 =	simm.s32 $0x200;
	[sflag:s11] =	ssyncadd.s32 $0xFFFFF400  }
.LBB2_2:
0x15: {  	p0 =	sne.s32 s0, $0x3FE00;
	[tilespmem:s1+$0x8C00] =	vst v1;
	s1 =	smov.u32 s0;
	s0 =	sadd.s32 $0x200, s0  }
.Ltmp0:
0x16: {  	(pc) =	sbr.rel @p0 .LBB2_2-.Ltmp0, $2  }
0x17: {  	_ =	sdelay $0x2  }
0x18: {  	s1 =	sshra.s32 s1, $0x2  }
0x19: {  	[tilespmem:s1+$0x8C00] =	vst v1;
	s22 =	simm.s32 $0x0  }
.LBB2_4:
0x1a: {  	s0 =	sshll.u32 s22, $0x5;
	s1 =	rddreg [dreg:$0x2]  }
0x1b: {  	s23 =	sadd.s32 s1, s0  }
0x1c: {  	s30 =	rddreg [dreg:$0x4];
	s0 =	sshll.u32 s23, $0x7  }
0x1d: {  	s31 =	simm.s32 $0x0;
	s0 =	sadd.s32 s0, s30  }
0x1e: {  	[tilespmem:s31], [sflag:$0x1] =	stream.linear.gather [hbm4b:s0+s31], $0x8000, $0x38;
	[tilespmem:$0x19780] =	vst v63  }
0x1f: {  	_ =	swait.ge [sflag:s11], $0x8000  }
0x20: {  	[sflag:s11] =	ssyncset.done $0x0  }
0x21: {  	s24 =	simm.s32 $0x0;
	[sflag:s11] =	ssyncadd.s32 $0xFFFF8000  }
.LBB2_5:
0x22: {  	s25 =	sshllo.u32 s24, $0x1;
	s0 =	sshll.u32 s24, $0xB;
	s1 =	simm.s32 $0x0  }
0x23: {  	s9 =	sshll.u32 s24, $0x8;
	s26 =	sand.u32 $0x6000, s0;
	s4 =	sand.u32 $0x1C00, s1  }
0x24: {  	s30 =	sand.u32 $0x300, s9;
	s20 =	sshll.u32 s25, $0x7;
	s4 =	sadd.s32 s4, s26  }
0x25: {  	s21 =	sand.u32 $0x60, s1;
	s28 =	sand.u32 $0x380, s20;
	s7 =	sadd.s32 s30, s4  }
0x26: {  	s4 =	sadd.s32 s28, s4;
	s8 =	sadd.s32 s21, s7  }
0x27: {  	s0 =	sadd.s32 s21, s4;
	v3 =	vld [tilespmem:s8+$0x0]  }
0x28: {  	v4 =	vld [tilespmem:s0+$0x0];
	_ =	sdelay $0x3  }
0x29: {  	s3 =	simm.s32 $0x10;
	v5 =	vor.u32 s1, v0;
	vm0 =	vle.f32 v3, $6.000000240e-01  }
0x2a: {  	s5 =	sand.u32 $0x70, s3;
	vm1 =	vle.f32 v4, $6.000000240e-01;
	[tilespmem:s1+$0x18E80] =	vst.msk vm0, v5  }
0x2b: {  	s9 =	sadd.s32 s5, s7;
	v4 =	vmpcnt.ones.xlane vm0;
	[tilespmem:s1+$0x19300] =	vst.msk vm1, v5  }
0x2c: {  	v3 =	vld [tilespmem:s9+$0x0]  }
0x2d: {  	(v2sf) =	vpush v4, $0x0;
	_ =	sdelay $0x3  }
0x2e: {  	v5 =	vmpcnt.ones.xlane vm1;
	vm14 =	vle.f32 v3, $6.000000240e-01  }
0x2f: {  	v3 =	vmpcnt.ones.xlane vm14  }
0x30: {  	s0 =	sadd.s32 s5, s4;
	(v2sf) =	vpush v5, $0x0  }
0x31: {  	(v2sf) =	vpush v3, $0x0;
	v3 =	vld [tilespmem:s0+$0x0];
	_ =	sdelay $0x4  }
0x32: {  	vm15 =	vle.f32 v3, $6.000000240e-01  }
0x33: {  	v6 =	vmpcnt.ones.xlane vm15;
	_ =	sdelay $0x1  }
0x34: {  	s21 =	spop (v2sf);
	(v2sf) =	vpush v6, $0x0;
	_ =	sdelay $0x4  }
0x35: {  	s0 =	simm.s32 $0x100  }
0x36: {  	s9 =	simm.s32 $0x20;
	s20 =	sand.u32 $0x1C00, s0  }
0x37: {  	v4 =	vor.u32 s3, v0;
	s1 =	sadd.s32 s20, s26;
	s20 =	sadd.s32 $0x0, s21;
	s3 =	spop (v2sf)  }
0x38: {  	s5 =	sand.u32 $0x60, s9;
	s4 =	sadd.s32 s30, s1;
	s7 =	sadd.s32 $0x0, s3;
	[tilespmem:s20+$0x18E80] =	vst.msk vm14, v4  }
0x39: {  	s31 =	sadd.s32 s28, s1;
	s21 =	sadd.s32 s5, s4;
	[tilespmem:s7+$0x19300] =	vst.msk vm15, v4  }
0x3a: {  	s8 =	sadd.s32 s5, s31;
	v5 =	vld [tilespmem:s21+$0x0]  }
0x3b: {  	v4 =	vld [tilespmem:s8+$0x0]  }
0x3c: {  	s1 =	sshll.u32 s24, $0x1  }
0x3d: {  	v3 =	vor.u32 s9, v0;
	s21 =	simm.s32 $0x40;
	s8 =	simm.s32 $0x30;
	s29 =	spop (v2sf)  }
.LBB2_6:
0x3e: {  	s20 =	sadd.s32 s20, s29  }
0x3f: {  	v6 =	vor.u32 s21, v0;
	vm0 =	vle.f32 v5, $6.000000240e-01;
	s3 =	spop (v2sf);
	s29 =	smov.u32 s21;
	s9 =	sadd.s32 $0x20, s21  }
0x40: {  	p0 =	sne.s32 s21, $0x3E0;
	s21 =	sand.u32 $0x70, s8;
	vm1 =	vle.f32 v4, $6.000000240e-01;
	[tilespmem:s20+$0x18E80] =	vst.msk vm0, v3;
	v4 =	vmpcnt.ones.xlane vm0;
	s3 =	sadd.s32 s7, s3  }
0x41: {  	s4 =	sadd.s32 s21, s4;
	s7 =	sadd.s32 s21, s31;
	[tilespmem:s3+$0x19300] =	vst.msk vm1, v3;
	v5 =	vmpcnt.ones.xlane vm1;
	v3 =	vmov v6  }
0x42: {  	v6 =	vld [tilespmem:s4+$0x0];
	(v2sf) =	vpush v4, $0x0  }
0x43: {  	v4 =	vld [tilespmem:s7+$0x0];
	(v2sf) =	vpush v5, $0x0;
	_ =	sdelay $0x3  }
0x44: {  	vm0 =	vle.f32 v6, $6.000000240e-01  }
0x45: {  	vm1 =	vle.f32 v4, $6.000000240e-01;
	v4 =	vmpcnt.ones.xlane vm0  }
0x46: {  	v5 =	vmpcnt.ones.xlane vm1  }
0x47: {  	(v2sf) =	vpush v4, $0x0  }
0x48: {  	(v2sf) =	vpush v5, $0x0;
	_ =	sdelay $0x4  }
0x49: {  	s0 =	sadd.s32 $0x100, s0  }
0x4a: {  	s21 =	sand.u32 $0x60, s29;
	s4 =	sand.u32 $0x1C00, s0;
	s7 =	spop (v2sf)  }
0x4b: {  	s31 =	sadd.s32 s4, s26;
	v4 =	vor.u32 s8, v0;
	s20 =	sadd.s32 s20, s7;
	s7 =	spop (v2sf)  }
0x4c: {  	s4 =	sadd.s32 s30, s31;
	s31 =	sadd.s32 s28, s31;
	s7 =	sadd.s32 s3, s7;
	[tilespmem:s20+$0x18E80] =	vst.msk vm0, v4  }
0x4d: {  	s8 =	sadd.s32 s21, s31;
	s3 =	sadd.s32 s21, s4;
	[tilespmem:s7+$0x19300] =	vst.msk vm1, v4  }
.Ltmp1:
0x4e: {  	v5 =	vld [tilespmem:s3+$0x0];
	(pc) =	sbr.rel @p0 .LBB2_6-.Ltmp1, $2  }
0x4f: {  	v4 =	vld [tilespmem:s8+$0x0];
	_ =	sdelay $0x2  }
0x50: {  	s21 =	smov.u32 s9;
	s8 =	sadd.s32 $0x10, s29;
	s29 =	spop (v2sf)  }
0x51: {  	vm0 =	vle.f32 v5, $6.000000240e-01;
	s0 =	sadd.s32 s20, s29;
	s3 =	spop (v2sf)  }
0x52: {  	s9 =	sand.u32 $0x70, s8;
	vm1 =	vle.f32 v4, $6.000000240e-01;
	[tilespmem:s0+$0x18E80] =	vst.msk vm0, v3;
	s3 =	sadd.s32 s7, s3  }
0x53: {  	s4 =	sadd.s32 s9, s4;
	[tilespmem:s3+$0x19300] =	vst.msk vm1, v3  }
0x54: {  	v3 =	vld [tilespmem:s4+$0x0];
	_ =	sdelay $0x3  }
0x55: {  	v61 =	vmpcnt.ones.xlane vm0  }
0x56: {  	v62 =	vmpcnt.ones.xlane vm1;
	vm14 =	vle.f32 v3, $6.000000240e-01  }
0x57: {  	(v2sf) =	vpush v61, $0x0;
	v3 =	vmpcnt.ones.xlane vm14  }
0x58: {  	(v2sf) =	vpush v62, $0x0  }
0x59: {  	(v2sf) =	vpush v3, $0x0;
	_ =	sdelay $0x3  }
0x5a: {  	s9 =	sadd.s32 s9, s31  }
0x5b: {  	v63 =	vld [tilespmem:s9+$0x0];
	_ =	sdelay $0x4  }
0x5c: {  	vm15 =	vle.f32 v63, $6.000000240e-01  }
0x5d: {  	v3 =	vmpcnt.ones.xlane vm15;
	_ =	sdelay $0x1  }
0x5e: {  	(v2sf) =	vpush v3, $0x0;
	s20 =	spop (v2sf)  }
0x5f: {  	s7 =	spop (v2sf)  }
0x60: {  	s0 =	sadd.s32 s0, s20;
	s21 =	spop (v2sf)  }
0x61: {  	s31 =	sadd.s32 s0, s21  }
0x62: {  	s4 =	sadd.s32 $0xF, s31  }
0x63: {  	s5 =	sand.u32 $0xF, s4  }
0x64: {  	s20 =	sshra.s32 s4, $0x1F;
	p1 =	slt.s32 s4, $0x1;
	p0 =	sne.s32 s5, $0x0  }
0x65: {  	s9 =	sshrl.u32 s20, $0x1C;
	p0 =	por !p1, !p0  }
0x66: {  	s4 =	sadd.s32 s9, s4;
	s9 =	simm.s32 $0x1;
	p0 =	por !p0, !p0  }
0x67: {  	s4 =	sshra.s32 s4, $0x4;
	s9 =	simm.s32 @!p0 $0x0  }
0x68: {  	s4 =	ssub.s32 s4, s9  }
0x69: {  	p0 =	slt.s32 s4, $0x1  }
.Ltmp2:
0x6a: {  	_ = 	snop;
	(pc) =	sbr.rel @p0 .LBB2_11-.Ltmp2, $4  }
0x6b: {  	_ = 	snop  }
0x6c: {  	v3 =	vor.u32 s8, v0  }
0x6d: {  	s8 =	simm.s32 $0x0;
	s3 =	sadd.s32 s3, s7;
	[tilespmem:s0+$0x18E80] =	vst.msk vm14, v3;
	s21 =	spop (v2sf)  }
0x6e: {  	[tilespmem:s3+$0x19300] =	vst.msk vm15, v3;
	s0 =	simm.s32 $0x0;
	s29 =	sadd.s32 s3, s21;
	s9 =	simm.s32 $0x0  }
0x6f: {  	v3 =	vmov s1  }
0x70: {  	p0 =	por $0x1, $0x1;
	v4 =	vshll.u32 v3, $0xA;
	v3 =	vshll.u32 v3, $0x7  }
0x71: {  	s1 =	simm.s32 $0x1;
	s7 =	simm.s32 $0x18E80;
	s0 =	simm.s32 $0x0;
	v4 =	vand.u32 $0x6000, v4;
	v5 =	vand.u32 $0x300, v3  }
0x72: {  	s20 =	simm.s32 $0x0;
	p1 =	por $0x1, $0x1;
	s9 =	simm.s32 $0x0;
	v3 =	vmov s31;
	v4 =	vor.u32 v5, v4  }
.LBB2_9:
0x73: {  	v5 =	vld [tilespmem:s7+$0x0];
	_ =	sdelay $0x2  }
0x74: {  	v6 =	vor.u32 s20, v0  }
0x75: {  	vm0 =	vlt.s32 v6, v3  }
0x76: {  	v5 =	vnsel vm0, $0x0, v5  }
0x77: {  	v6 =	vshll.u32 v5, $0x3  }
0x78: {  	v6 =	vand.u32 $0xFFFFFC00, v6  }
0x79: {  	v7 =	vand.u32 $0x7F, v5;
	v6 =	vadd.s32 v4, v6  }
0x7a: {  	v6 =	vor.u32 v7, v6;
	_ =	sdelay $0x4  }
0x7b: {  	v6 =	vld.idx.msk [tilespmem:v6+s2+$0x0], $0xffff;
	_ =	sdelay $0x4  }
0x7c: {  	vm1 =	vle.f32 v6, $1.000000010e-01  }
0x7d: {  	vm2 =	vle.f32 v6, $3.000000120e-01;
	vm1 =	vmand vm0, vm1  }
0x7e: {  	vm0 =	vmand vm0, vm2;
	v6 =	vmpcnt.ones.xlane vm1  }
0x7f: {  	v7 =	vmpcnt.ones.xlane vm0  }
0x80: {  	(v2sf) =	vpush v6, $0x0  }
0x81: {  	(v2sf) =	vpush v7, $0x0;
	_ =	sdelay $0xd  }
0x82: {  	s3 =	spop (v2sf)  }
0x83: {  	[tilespmem:s9+$0x18C00] =	vst.msk @p1 vm1, v5;
	s21 =	spop (v2sf)  }
0x84: {  	[tilespmem:s0+$0x18C80] =	vst.msk @p0 vm0, v5;
	s9 =	sadd.s32 s9, s3;
	s0 =	sadd.s32 s0, s21  }
0x85: {  	p1 =	slt.s32 s9, $0x10;
	p0 =	slt.s32 s0, $0x10  }
0x86: {  	p2 =	sge.s32 s1, s4;
	p3 =	por p1, p0  }
0x87: {  	p2 =	por p2, !p3  }
.Ltmp3:
0x88: {  	_ = 	snop;
	(pc) =	sbr.rel @!p2 .LBB2_9-.Ltmp3, $2  }
0x89: {  	_ =	sdelay $0x2  }
0x8a: {  	s1 =	sadd.s32 $0x1, s1;
	s7 =	sadd.s32 $0x10, s7;
	s20 =	sadd.s32 $0x10, s20  }
0x8b: {  	p0 =	slt.s32 s9, $0x10;
	p1 =	slt.s32 s0, $0x10  }
0x8c: {  	s9 =	simm.s32 @!p0 $0x10;
	s0 =	simm.s32 @!p1 $0x10  }
.LBB2_11:
0x8d: {  	s1 =	sadd.s32 s30, s26;
	p0 =	por $0x1, $0x1;
	s4 =	simm.s32 $0x0  }
0x8e: {  	s30 =	simm.s32 $0x0;
	p1 =	por $0x1, $0x1;
	p2 =	por $0x1, $0x1  }
0x8f: {  	s7 =	simm.s32 $0x0;
	s20 =	simm.s32 $0x0;
	s21 =	simm.s32 $0x0  }
.LBB2_12:
0x90: {  	s3 =	sand.u32 $0x1C00, s30  }
0x91: {  	s5 =	sand.u32 $0x70, s4;
	s3 =	sadd.s32 s3, s1  }
0x92: {  	s3 =	sadd.s32 s5, s3  }
0x93: {  	v3 =	vld [tilespmem:s3+$0x0];
	_ =	sdelay $0x4  }
0x94: {  	vm0 =	vle.f32 v3, $1.000000010e-01  }
0x95: {  	vm1 =	vle.f32 v3, $3.000000120e-01;
	vm0 =	vmneg vm0  }
0x96: {  	vm14 =	vle.f32 v3, $6.000000240e-01;
	vm13 =	vmneg vm1;
	v4 =	vmpcnt.ones.xlane vm0  }
0x97: {  	vm15 =	vmneg vm14;
	v5 =	vmpcnt.ones.xlane vm13  }
0x98: {  	v63 =	vmpcnt.ones.xlane vm15;
	(v2sf) =	vpush v4, $0x0  }
0x99: {  	(v2sf) =	vpush v5, $0x0  }
0x9a: {  	(v2sf) =	vpush v63, $0x0;
	_ =	sdelay $0xa  }
0x9b: {  	vm1 =	vle.f32 @p1 v3, $3.000000120e-01  }
0x9c: {  	vm0 =	vle.f32 @p2 v3, $1.000000010e-01;
	vm1 =	vmneg @p1 vm1;
	v4 =	vlaneseq.u32 @p2  }
0x9d: {  	vm0 =	vmneg @p2 vm0;
	v4 =	vor.u32 @p2 s4, v4;
	v5 =	vlaneseq.u32 @p1;
	s3 =	spop (v2sf)  }
0x9e: {  	[tilespmem:s21+$0x18D00] =	vst.msk @p2 vm0, v4;
	v4 =	vor.u32 @p1 s4, v5;
	vm0 =	vle.f32 @p0 v3, $6.000000240e-01;
	v3 =	vlaneseq.u32 @p0;
	s5 =	spop (v2sf)  }
0x9f: {  	[tilespmem:s20+$0x18D80] =	vst.msk @p1 vm1, v4;
	vm0 =	vmneg @p0 vm0;
	v3 =	vor.u32 @p0 s4, v3;
	s21 =	sadd.s32 s21, s3;
	s20 =	sadd.s32 s20, s5;
	s5 =	spop (v2sf)  }
0xa0: {  	[tilespmem:s7+$0x18E00] =	vst.msk @p0 vm0, v3;
	p2 =	slt.s32 s21, $0x10;
	s7 =	sadd.s32 s7, s5;
	p1 =	slt.s32 s20, $0x10  }
0xa1: {  	p3 =	por p2, p1;
	p0 =	slt.s32 s7, $0x10  }
0xa2: {  	p4 =	sgt.u32 s8, $0x3E;
	p3 =	por p3, p0  }
0xa3: {  	p3 =	por p4, !p3  }
.Ltmp4:
0xa4: {  	_ = 	snop;
	(pc) =	sbr.rel @!p3 .LBB2_12-.Ltmp4, $2  }
0xa5: {  	_ =	sdelay $0x2  }
0xa6: {  	s8 =	sadd.s32 $0x1, s8;
	s30 =	sadd.s32 $0x80, s30;
	s4 =	sadd.s32 $0x10, s4  }
0xa7: {  	v3 =	vmov s9  }
0xa8: {  	v3 =	vsub.s32 v0, v3  }
0xa9: {  	vm0 =	vgt.s32 v3, $0x0  }
0xaa: {  	v3 =	vnsel vm0, $0x0, v3;
	_ =	sdelay $0x3  }
0xab: {  	v4 =	vld.idx.msk [tilespmem:v0+s12+$0x0], $0xffff  }
0xac: {  	v3 =	vld.idx.msk [tilespmem:v3+s13+$0x0], $0xffff;
	_ =	sdelay $0x3  }
0xad: {  	vm11 =	vlt.s32 v0, s9  }
0xae: {  	v3 =	vsel vm11, v4, v3  }
0xaf: {  	v3 =	vmul.u32 $0x3, v3;
	_ =	sdelay $0x2  }
0xb0: {  	s1 =	sshll.u32 s24, $0x5  }
0xb1: {  	v51 =	vmov s1  }
0xb2: {  	v4 =	vshll.u32 v51, $0x7  }
0xb3: {  	v4 =	vor.u32 v2, v4;
	v5 =	vld.idx.msk [tilespmem:v3+s10+$0x0], $0xffff  }
0xb4: {  	v6 =	vadd.s32 $0x1, v3;
	_ =	sdelay $0x3  }
0xb5: {  	[tilespmem:v4+s14+$0x0] =	vst.idx.msk $0xffff, v5  }
0xb6: {  	v52 =	vor.u32 $0x1, v4;
	v5 =	vld.idx.msk [tilespmem:v6+s10+$0x0], $0xffff  }
0xb7: {  	v3 =	vadd.s32 $0x2, v3;
	_ =	sdelay $0x3  }
0xb8: {  	v53 =	vmov s0;
	[tilespmem:v52+s14+$0x0] =	vst.idx.msk $0xffff, v5  }
0xb9: {  	v54 =	vor.u32 $0x2, v4;
	v5 =	vsub.s32 v0, v53;
	v3 =	vld.idx.msk [tilespmem:v3+s10+$0x0], $0xffff  }
0xba: {  	vm12 =	vgt.s32 v5, $0x0  }
0xbb: {  	v5 =	vnsel vm12, $0x0, v5;
	_ =	sdelay $0x2  }
0xbc: {  	[tilespmem:v54+s14+$0x0] =	vst.idx.msk $0xffff, v3  }
0xbd: {  	v3 =	vld.idx.msk [tilespmem:v0+s15+$0x0], $0xffff  }
0xbe: {  	v5 =	vld.idx.msk [tilespmem:v5+s16+$0x0], $0xffff;
	_ =	sdelay $0x3  }
0xbf: {  	vm13 =	vlt.s32 v0, s0  }
0xc0: {  	v3 =	vsel vm13, v3, v5  }
0xc1: {  	v3 =	vmul.u32 $0x3, v3;
	_ =	sdelay $0x5  }
0xc2: {  	v56 =	vor.u32 $0x3, v4;
	v55 =	vld.idx.msk [tilespmem:v3+s10+$0x0], $0xffff  }
0xc3: {  	v7 =	vadd.s32 $0x1, v3;
	_ =	sdelay $0x3  }
0xc4: {  	[tilespmem:v56+s14+$0x0] =	vst.idx.msk $0xffff, v55  }
0xc5: {  	v57 =	vor.u32 $0x4, v4;
	v5 =	vld.idx.msk [tilespmem:v7+s10+$0x0], $0xffff  }
0xc6: {  	v3 =	vadd.s32 $0x2, v3;
	_ =	sdelay $0x1  }
0xc7: {  	p0 =	slt.s32 s31, $0x10  }
0xc8: {  	s31 =	simm.s32 @!p0 $0x10  }
0xc9: {  	v58 =	vmov s31;
	[tilespmem:v57+s14+$0x0] =	vst.idx.msk $0xffff, v5  }
0xca: {  	v59 =	vor.u32 $0x5, v4;
	v5 =	vsub.s32 v0, v58;
	v3 =	vld.idx.msk [tilespmem:v3+s10+$0x0], $0xffff  }
0xcb: {  	vm14 =	vgt.s32 v5, $0x0  }
0xcc: {  	v5 =	vnsel vm14, $0x0, v5;
	_ =	sdelay $0x2  }
0xcd: {  	[tilespmem:v59+s14+$0x0] =	vst.idx.msk $0xffff, v3  }
0xce: {  	v3 =	vld.idx.msk [tilespmem:v0+s17+$0x0], $0xffff  }
0xcf: {  	v5 =	vld.idx.msk [tilespmem:v5+s18+$0x0], $0xffff;
	_ =	sdelay $0x3  }
0xd0: {  	vm15 =	vlt.s32 v0, s31  }
0xd1: {  	v3 =	vsel vm15, v3, v5  }
0xd2: {  	v3 =	vmul.u32 $0x3, v3;
	_ =	sdelay $0x5  }
0xd3: {  	v61 =	vor.u32 $0x6, v4;
	v60 =	vld.idx.msk [tilespmem:v3+s10+$0x0], $0xffff  }
0xd4: {  	v62 =	vadd.s32 $0x1, v3;
	_ =	sdelay $0x3  }
0xd5: {  	s21 =	sadd.s32 $0xF, s29;
	[tilespmem:v61+s14+$0x0] =	vst.idx.msk $0xffff, v60  }
0xd6: {  	s30 =	sand.u32 $0xF, s21;
	v63 =	vor.u32 $0x7, v4;
	v5 =	vld.idx.msk [tilespmem:v62+s10+$0x0], $0xffff  }
0xd7: {  	s3 =	sshra.s32 s21, $0x1F;
	p6 =	slt.s32 s21, $0x1;
	p1 =	sne.s32 s30, $0x0;
	v3 =	vadd.s32 $0x2, v3  }
0xd8: {  	s31 =	sshrl.u32 s3, $0x1C;
	p0 =	por !p6, !p1  }
0xd9: {  	s1 =	simm.s32 $0x1;
	s0 =	sadd.s32 s31, s21;
	p0 =	por !p0, !p0  }
0xda: {  	s0 =	sshra.s32 s0, $0x4;
	s1 =	simm.s32 @!p0 $0x0  }
0xdb: {  	s4 =	ssub.s32 s0, s1;
	[tilespmem:v63+s14+$0x0] =	vst.idx.msk $0xffff, v5  }
0xdc: {  	p0 =	slt.s32 s4, $0x1;
	v4 =	vor.u32 $0x8, v4;
	v3 =	vld.idx.msk [tilespmem:v3+s10+$0x0], $0xffff  }
.Ltmp5:
0xdd: {  	_ = 	snop;
	(pc) =	sbr.rel @p0 .LBB2_17-.Ltmp5, $2  }
0xde: {  	_ =	sdelay $0x2  }
0xdf: {  	s8 =	simm.s32 $0x0;
	s1 =	simm.s32 $0x0;
	s0 =	simm.s32 $0x0;
	[tilespmem:v4+s14+$0x0] =	vst.idx.msk $0xffff, v3  }
0xe0: {  	v3 =	vmov s25  }
0xe1: {  	p0 =	por $0x1, $0x1;
	v4 =	vshll.u32 v3, $0xA;
	v3 =	vshll.u32 v3, $0x7  }
0xe2: {  	s7 =	simm.s32 $0x1;
	s9 =	simm.s32 $0x19300;
	s0 =	simm.s32 $0x0;
	v4 =	vand.u32 $0x6000, v4;
	v5 =	vand.u32 $0x380, v3  }
0xe3: {  	s20 =	simm.s32 $0x0;
	p1 =	por $0x1, $0x1;
	s8 =	simm.s32 $0x0;
	v3 =	vmov s29;
	v4 =	vor.u32 v5, v4  }
.LBB2_15:
0xe4: {  	v5 =	vld [tilespmem:s9+$0x0];
	_ =	sdelay $0x2  }
0xe5: {  	v6 =	vor.u32 s20, v0  }
0xe6: {  	vm0 =	vlt.s32 v6, v3  }
0xe7: {  	v5 =	vnsel vm0, $0x0, v5  }
0xe8: {  	v6 =	vshll.u32 v5, $0x3  }
0xe9: {  	v6 =	vand.u32 $0xFFFFFC00, v6  }
0xea: {  	v7 =	vand.u32 $0x7F, v5;
	v6 =	vadd.s32 v4, v6  }
0xeb: {  	v6 =	vor.u32 v7, v6;
	_ =	sdelay $0x4  }
0xec: {  	v6 =	vld.idx.msk [tilespmem:v6+s2+$0x0], $0xffff;
	_ =	sdelay $0x4  }
0xed: {  	vm1 =	vle.f32 v6, $1.000000010e-01  }
0xee: {  	vm2 =	vle.f32 v6, $3.000000120e-01;
	vm1 =	vmand vm0, vm1  }
0xef: {  	vm0 =	vmand vm0, vm2;
	v6 =	vmpcnt.ones.xlane vm1  }
0xf0: {  	v7 =	vmpcnt.ones.xlane vm0  }
0xf1: {  	(v2sf) =	vpush v6, $0x0  }
0xf2: {  	(v2sf) =	vpush v7, $0x0;
	_ =	sdelay $0xd  }
0xf3: {  	s3 =	spop (v2sf)  }
0xf4: {  	[tilespmem:s8+$0x18C00] =	vst.msk @p1 vm1, v5;
	s5 =	spop (v2sf)  }
0xf5: {  	[tilespmem:s0+$0x18C80] =	vst.msk @p0 vm0, v5;
	s8 =	sadd.s32 s8, s3;
	s0 =	sadd.s32 s0, s5  }
0xf6: {  	p1 =	slt.s32 s8, $0x10;
	p0 =	slt.s32 s0, $0x10  }
0xf7: {  	p2 =	sge.s32 s7, s4;
	p3 =	por p1, p0  }
0xf8: {  	p2 =	por p2, !p3  }
.Ltmp6:
0xf9: {  	_ = 	snop;
	(pc) =	sbr.rel @!p2 .LBB2_15-.Ltmp6, $2  }
0xfa: {  	_ =	sdelay $0x2  }
0xfb: {  	s7 =	sadd.s32 $0x1, s7;
	s9 =	sadd.s32 $0x10, s9;
	s20 =	sadd.s32 $0x10, s20  }
0xfc: {  	p0 =	slt.s32 s8, $0x10;
	p1 =	slt.s32 s0, $0x10  }
0xfd: {  	s8 =	simm.s32 @!p0 $0x10;
	s0 =	simm.s32 @!p1 $0x10  }
.LBB2_17:
0xfe: {  	s4 =	sadd.s32 s28, s26;
	p0 =	por $0x1, $0x1;
	s9 =	simm.s32 $0x0  }
0xff: {  	s26 =	simm.s32 $0x0;
	p1 =	por $0x1, $0x1;
	p2 =	por $0x1, $0x1  }
0x100: {  	s7 =	simm.s32 $0x0;
	s20 =	simm.s32 $0x0;
	s21 =	simm.s32 $0x0  }
.LBB2_18:
0x101: {  	s3 =	sand.u32 $0x1C00, s26  }
0x102: {  	s5 =	sand.u32 $0x70, s9;
	s3 =	sadd.s32 s3, s4  }
0x103: {  	s3 =	sadd.s32 s5, s3  }
0x104: {  	v3 =	vld [tilespmem:s3+$0x0];
	_ =	sdelay $0x4  }
0x105: {  	vm0 =	vle.f32 v3, $1.000000010e-01  }
0x106: {  	vm1 =	vle.f32 v3, $3.000000120e-01;
	vm0 =	vmneg vm0  }
0x107: {  	vm14 =	vle.f32 v3, $6.000000240e-01;
	vm13 =	vmneg vm1;
	v4 =	vmpcnt.ones.xlane vm0  }
0x108: {  	vm15 =	vmneg vm14;
	v5 =	vmpcnt.ones.xlane vm13  }
0x109: {  	v63 =	vmpcnt.ones.xlane vm15;
	(v2sf) =	vpush v4, $0x0  }
0x10a: {  	(v2sf) =	vpush v5, $0x0  }
0x10b: {  	(v2sf) =	vpush v63, $0x0;
	_ =	sdelay $0xa  }
0x10c: {  	vm1 =	vle.f32 @p1 v3, $3.000000120e-01  }
0x10d: {  	vm0 =	vle.f32 @p2 v3, $1.000000010e-01;
	vm1 =	vmneg @p1 vm1;
	v4 =	vlaneseq.u32 @p2  }
0x10e: {  	vm0 =	vmneg @p2 vm0;
	v4 =	vor.u32 @p2 s9, v4;
	v5 =	vlaneseq.u32 @p1;
	s28 =	spop (v2sf)  }
0x10f: {  	[tilespmem:s21+$0x18D00] =	vst.msk @p2 vm0, v4;
	v4 =	vor.u32 @p1 s9, v5;
	vm0 =	vle.f32 @p0 v3, $6.000000240e-01;
	v3 =	vlaneseq.u32 @p0;
	s30 =	spop (v2sf)  }
0x110: {  	[tilespmem:s20+$0x18D80] =	vst.msk @p1 vm1, v4;
	vm0 =	vmneg @p0 vm0;
	v3 =	vor.u32 @p0 s9, v3;
	s21 =	sadd.s32 s21, s28;
	s20 =	sadd.s32 s20, s30;
	s31 =	spop (v2sf)  }
0x111: {  	[tilespmem:s7+$0x18E00] =	vst.msk @p0 vm0, v3;
	p2 =	slt.s32 s21, $0x10;
	s7 =	sadd.s32 s7, s31;
	p1 =	slt.s32 s20, $0x10  }
0x112: {  	p3 =	por p2, p1;
	p0 =	slt.s32 s7, $0x10  }
0x113: {  	p4 =	sgt.u32 s1, $0x3E;
	p3 =	por p3, p0  }
0x114: {  	p3 =	por p4, !p3  }
.Ltmp7:
0x115: {  	_ = 	snop;
	(pc) =	sbr.rel @!p3 .LBB2_18-.Ltmp7, $2  }
0x116: {  	_ =	sdelay $0x2  }
0x117: {  	s1 =	sadd.s32 $0x1, s1;
	s26 =	sadd.s32 $0x80, s26;
	s9 =	sadd.s32 $0x10, s9  }
0x118: {  	v3 =	vmov s8  }
0x119: {  	v3 =	vsub.s32 v0, v3  }
0x11a: {  	vm0 =	vgt.s32 v3, $0x0  }
0x11b: {  	v3 =	vnsel vm0, $0x0, v3;
	_ =	sdelay $0x3  }
0x11c: {  	v4 =	vld.idx.msk [tilespmem:v0+s12+$0x0], $0xffff  }
0x11d: {  	v3 =	vld.idx.msk [tilespmem:v3+s13+$0x0], $0xffff;
	_ =	sdelay $0x3  }
0x11e: {  	vm11 =	vlt.s32 v0, s8  }
0x11f: {  	v3 =	vsel vm11, v4, v3  }
0x120: {  	v3 =	vmul.u32 $0x3, v3;
	_ =	sdelay $0x2  }
0x121: {  	s1 =	sshll.u32 s25, $0x4  }
0x122: {  	v51 =	vmov s1  }
0x123: {  	v4 =	vshll.u32 v51, $0x7  }
0x124: {  	v4 =	vor.u32 v2, v4;
	v5 =	vld.idx.msk [tilespmem:v3+s10+$0x0], $0xffff  }
0x125: {  	v6 =	vadd.s32 $0x1, v3;
	_ =	sdelay $0x3  }
0x126: {  	[tilespmem:v4+s14+$0x0] =	vst.idx.msk $0xffff, v5  }
0x127: {  	v52 =	vor.u32 $0x1, v4;
	v5 =	vld.idx.msk [tilespmem:v6+s10+$0x0], $0xffff  }
0x128: {  	v3 =	vadd.s32 $0x2, v3;
	_ =	sdelay $0x3  }
0x129: {  	v53 =	vmov s0;
	[tilespmem:v52+s14+$0x0] =	vst.idx.msk $0xffff, v5  }
0x12a: {  	v54 =	vor.u32 $0x2, v4;
	v5 =	vsub.s32 v0, v53;
	v3 =	vld.idx.msk [tilespmem:v3+s10+$0x0], $0xffff  }
0x12b: {  	vm12 =	vgt.s32 v5, $0x0  }
0x12c: {  	v5 =	vnsel vm12, $0x0, v5;
	_ =	sdelay $0x2  }
0x12d: {  	[tilespmem:v54+s14+$0x0] =	vst.idx.msk $0xffff, v3  }
0x12e: {  	v3 =	vld.idx.msk [tilespmem:v0+s15+$0x0], $0xffff  }
0x12f: {  	v5 =	vld.idx.msk [tilespmem:v5+s16+$0x0], $0xffff;
	_ =	sdelay $0x3  }
0x130: {  	vm13 =	vlt.s32 v0, s0  }
0x131: {  	v3 =	vsel vm13, v3, v5  }
0x132: {  	v3 =	vmul.u32 $0x3, v3;
	_ =	sdelay $0x5  }
0x133: {  	v56 =	vor.u32 $0x3, v4;
	v55 =	vld.idx.msk [tilespmem:v3+s10+$0x0], $0xffff  }
0x134: {  	v7 =	vadd.s32 $0x1, v3;
	_ =	sdelay $0x3  }
0x135: {  	[tilespmem:v56+s14+$0x0] =	vst.idx.msk $0xffff, v55  }
0x136: {  	v57 =	vor.u32 $0x4, v4;
	v5 =	vld.idx.msk [tilespmem:v7+s10+$0x0], $0xffff  }
0x137: {  	v3 =	vadd.s32 $0x2, v3;
	_ =	sdelay $0x1  }
0x138: {  	p0 =	slt.s32 s29, $0x10  }
0x139: {  	s29 =	simm.s32 @!p0 $0x10  }
0x13a: {  	v58 =	vmov s29;
	[tilespmem:v57+s14+$0x0] =	vst.idx.msk $0xffff, v5  }
0x13b: {  	v59 =	vor.u32 $0x5, v4;
	v5 =	vsub.s32 v0, v58;
	v3 =	vld.idx.msk [tilespmem:v3+s10+$0x0], $0xffff  }
0x13c: {  	vm14 =	vgt.s32 v5, $0x0  }
0x13d: {  	v5 =	vnsel vm14, $0x0, v5;
	_ =	sdelay $0x2  }
0x13e: {  	[tilespmem:v59+s14+$0x0] =	vst.idx.msk $0xffff, v3  }
0x13f: {  	v3 =	vld.idx.msk [tilespmem:v0+s19+$0x0], $0xffff  }
0x140: {  	v5 =	vld.idx.msk [tilespmem:v5+s18+$0x0], $0xffff;
	_ =	sdelay $0x3  }
0x141: {  	vm15 =	vlt.s32 v0, s29  }
0x142: {  	v3 =	vsel vm15, v3, v5  }
0x143: {  	v3 =	vmul.u32 $0x3, v3;
	_ =	sdelay $0x5  }
0x144: {  	v61 =	vor.u32 $0x6, v4;
	v60 =	vld.idx.msk [tilespmem:v3+s10+$0x0], $0xffff  }
0x145: {  	v62 =	vadd.s32 $0x1, v3;
	_ =	sdelay $0x3  }
0x146: {  	[tilespmem:v61+s14+$0x0] =	vst.idx.msk $0xffff, v60  }
0x147: {  	v63 =	vor.u32 $0x7, v4;
	v5 =	vld.idx.msk [tilespmem:v62+s10+$0x0], $0xffff  }
0x148: {  	v3 =	vadd.s32 $0x2, v3;
	_ =	sdelay $0x3  }
0x149: {  	s24 =	sadd.s32 $0x1, s24;
	[tilespmem:v63+s14+$0x0] =	vst.idx.msk $0xffff, v5  }
0x14a: {  	p0 =	sne.s32 s24, $0x10;
	v4 =	vor.u32 $0x8, v4;
	v3 =	vld.idx.msk [tilespmem:v3+s10+$0x0], $0xffff  }
.Ltmp8:
0x14b: {  	_ = 	snop;
	(pc) =	sbr.rel @p0 .LBB2_5-.Ltmp8, $2  }
0x14c: {  	_ =	sdelay $0x2  }
0x14d: {  	[tilespmem:v4+s14+$0x0] =	vst.idx.msk $0xffff, v3  }
0x14e: {  	s22 =	sadd.s32 $0x1, s22  }
0x14f: {  	s0 =	sshll.u32 s23, $0x8;
	p0 =	sne.s32 s22, $0x4  }
.Ltmp9:
0x150: {  	s0 =	sadd.s32 s0, s6;
	(pc) =	sbr.rel @p0 .LBB2_4-.Ltmp9, $4  }
0x151: {  	[hbm4b:s0+s2] =	stream.linear.scatter [tilespmem:s14], [sflag:$0x1], $0x10000, $0x38;
	[tilespmem:$0x19780] =	vst v63  }
0x152: {  	_ =	swait.ge [sflag:s11], $0x10000  }
0x153: {  	[sflag:s11] =	ssyncset.done $0x0  }
0x154: {  	[sflag:s11] =	ssyncadd.s32 $0xFFFF0000  }
0x155: {  	s1 =	rddreg [dreg:$0x6]  }
0x156: {  	s0 =	rddreg [dreg:$0x5];
	s1 =	sadd.s32 $0x1, s1  }
0x157: {  	p0 =	sne.s32 s1, s0  }
.Ltmp10:
0x158: {  	_ = 	snop;
	(pc) =	sbr.rel @p0 .LBB2_1-.Ltmp10, $1  }
0x159: {  	_ =	sdelay $0x3  }
0x15a: {  	_ =	sfence.sel $0x180000  }
0x15b: {  	[bflag:$0x0] =	sbarrier.arrive $0xFFFF  }
0x15c: {  	_ =	strace $0x90000047  }
0x15d: {  	s0 =	stileid.u32;
	[bflag:$0x2] =	sbarrier.arrive $0xFFFF  }
0x15e: {  	p0 =	sne.s32 s0, $0x0;
	s0 =	rddreg [dreg:$0x1]  }
0x15f: {  	s0 =	sadd.s32 @!p0 $0x100000, s0  }
0x160: {  	[sflag:s0] =	ssyncadd.tile.s32 @!p0 $0x1;
	_ =	shalt  }
.Lfunc_end2:
_tile_overlayer_lowered:
.L_overlay_start_2:
0x161: {  	(tag) =	ssettag $0x2  }
0x162: {  	s0 =	rddreg [dreg:$0x0];
	s2 =	stileid.u32  }
0x163: {  	s1 =	rddreg [dreg:$0x1];
	p0 =	sne.s32 s2, $0x0  }
0x164: {  	s3 =	rddreg [dreg:$0x2];
	[bflag:$0x3] =	sbarrier.arrive $0xFFFF;
	s2 =	simm.s32 @!p0 $0x1C01  }
0x165: {  	[timem:s3], [sflag:s2] =	dma.local @!p0 [hbm:s0], s1  }
0x166: {  	s0 =	simm.s32 @!p0 $0x1  }
0x167: {  	_ =	swait.ge @!p0 [sflag:s0], s1  }
0x168: {  	s1 =	ssub.s32 @!p0 $0x0, s1;
	[sflag:s0] =	ssyncset.done @!p0 $0x0  }
0x169: {  	[sflag:s0] =	ssyncadd.s32 @!p0 s1  }
0x16a: {  	[bflag:$0x3] =	sbarrier.arrive $0xFFFF  }
0x16b: {  	_ =	shalt  }

</sc_bundles>
